<compile_context>
chip_gen: v7x
topology: tpu7x:2x2x1
jax: 0.10.2.dev20260603
libtpu: 0.0.44.dev20260713+nightly
codegen_flags: <defaults>
</compile_context>

<pallas_src>
import functools

import jax
import jax.numpy as jnp
from jax import lax
from jax.experimental import pallas as pl
from jax.experimental.pallas import tpu as pltpu
from jax.experimental.pallas import tpu_sc as plsc

_DIM = 128
_NC = 2
_NS = 16
_NW = _NC * _NS
_R = 128


_NBUF = 5


@functools.lru_cache(maxsize=None)
def _tied_embed_sc(total: int):
    per_w = total // _NW
    n_chunks = per_w // _R
    mesh = plsc.VectorSubcoreMesh(core_axis_name="c", subcore_axis_name="s")

    def body(ids_hbm, w_hbm, b_hbm, out_hbm, idx_v, rows_v, sem_g, sem_a, sem_s):
        wid = lax.axis_index("s") * _NC + lax.axis_index("c")
        base = wid * per_w
        pltpu.sync_copy(ids_hbm.at[wid], idx_v)

        @pl.loop(0, n_chunks, step=_NBUF)
        def _group(j0):
            gathers = []
            for b in range(_NBUF):
                gathers.append(
                    pltpu.async_copy(
                        w_hbm.at[idx_v.at[j0 + b]], rows_v.at[b], sem_g.at[b]))
            adds = []
            for b in range(_NBUF):
                gathers[b].wait()
                adds.append(
                    pltpu.async_copy(
                        b_hbm.at[idx_v.at[j0 + b]], rows_v.at[b], sem_a.at[b],
                        add=True))
            stores = []
            for b in range(_NBUF):
                adds[b].wait()
                stores.append(
                    pltpu.async_copy(
                        rows_v.at[b],
                        out_hbm.at[pl.ds(base + (j0 + b) * _R, _R)],
                        sem_s.at[b]))
            for b in range(_NBUF):
                stores[b].wait()

    return pl.kernel(
        body,
        out_type=jax.ShapeDtypeStruct((total, _DIM), jnp.float32),
        mesh=mesh,
        scratch_types=[
            pltpu.VMEM((n_chunks, _R), jnp.int32),
            pltpu.VMEM((_NBUF, _R, _DIM), jnp.float32),
            pltpu.SemaphoreType.DMA((_NBUF,)),
            pltpu.SemaphoreType.DMA((_NBUF,)),
            pltpu.SemaphoreType.DMA((_NBUF,)),
        ],
    )


def kernel(input_ids, weight, bias):
    B, H = input_ids.shape
    total = B * H
    ids = input_ids.reshape(_NW, total // (_NW * _R), _R).astype(jnp.int32)
    out = _tied_embed_sc(total)(ids, weight, bias)
    return out.reshape(B, H, _DIM)

# --- scband reference (transcript-rebuilt; emitter-appended) ---
"""Pipeline reference for scband-tied-embedding-77300821393681 (READ-ONLY COPY).

The authoritative reference and input builder live on the scoring server;
editing this copy changes nothing except your own understanding.
"""

import jax, jax.numpy as jnp
import numpy as np

VOCAB = 100000
DIM = 128
BATCH = 4096
HIST = 50
PADDING_IDX = 0

def setup_inputs(seed: int = 0) -> dict:
    key = jax.random.key(seed)
    k1, k2 = jax.random.split(key)
    input_ids = jax.random.randint(k1, (BATCH, HIST), 0, VOCAB, dtype=jnp.int64) if jax.config.jax_enable_x64 else jax.random.randint(k1, (BATCH, HIST), 0, VOCAB, dtype=jnp.int32)
    weight = jax.random.normal(k2, (VOCAB, DIM), dtype=jnp.float32) * 0.02
    bias = jnp.zeros((VOCAB, DIM), dtype=jnp.float32)
    return {"input_ids": input_ids, "weight": weight, "bias": bias}

def reference(input_ids, weight, bias):
    # detach_base=True: base weight is read-only (stop_gradient)
    w = jax.lax.stop_gradient(weight)
    out = jnp.take(w, input_ids, axis=0)
    # trainable bias table looked up with the same ids (F.embedding on bias)
    out = out + jnp.take(bias, input_ids, axis=0)
    return out

if __name__ == "__main__":
    import jax
    _d = setup_inputs()
    print(jax.jit(kernel)(*tuple(_d.values())))

</pallas_src>

<mosaic_0001>
#map = affine_map<(d0, d1) -> (0, 0, 0)>
#map1 = affine_map<(d0, d1) -> (0, 0)>
module attributes {stable_mosaic.version = 14 : i64} {
  func.func @body(%arg0: i32, %arg1: i32, %arg2: memref<32x50x128xi32, #tpu.memory_space<hbm>>, %arg3: memref<100000x128xf32, #tpu.memory_space<hbm>>, %arg4: memref<100000x128xf32, #tpu.memory_space<hbm>>, %arg5: memref<204800x128xf32, #tpu.memory_space<hbm>>, %arg6: memref<50x128xi32, #tpu.memory_space<vmem>>, %arg7: memref<5x128x128xf32, #tpu.memory_space<vmem>>, %arg8: memref<5x!tpu.dma_semaphore, #tpu.memory_space<semaphore_mem>>, %arg9: memref<5x!tpu.dma_semaphore, #tpu.memory_space<semaphore_mem>>, %arg10: memref<5x!tpu.dma_semaphore, #tpu.memory_space<semaphore_mem>>) attributes {dimension_semantics = [#tpu.dimension_semantics<core_parallel>, #tpu.dimension_semantics<subcore_parallel>], iteration_bounds = array<i64: 2, 16>, scalar_prefetch = 0 : i64, scratch_operands = 5 : i64, tpu.core_type = #tpu.core_type<sc_vector_subcore>, window_params = [{transform_indices = #map}, {transform_indices = #map1}, {transform_indices = #map1}, {transform_indices = #map1}]} {
    %mul3A = arith.constant 2 : i32
    %mul3A_0 = arith.muli %arg1, %mul3A : i32
    %add3A = arith.addi %mul3A_0, %arg0 : i32
    %mul3A_1 = arith.constant 6400 : i32
    %mul3A_2 = arith.muli %add3A, %mul3A_1 : i32
    "tpu.region"() ({
      %run_scoped3A = tpu.sem_alloc : memref<!tpu.dma_semaphore, #tpu.memory_space<semaphore_mem>>
      %dma_start3A = arith.constant 0 : i32
      %dma_start3A_7 = arith.constant 0 : i32
      %dma_start3A_8 = tpu.memref_slice %arg2[%add3A, %dma_start3A, %dma_start3A_7] : memref<32x50x128xi32, #tpu.memory_space<hbm>> -> memref<1x50x128xi32, #tpu.memory_space<hbm>>
      %dma_start3A_9 = tpu.memref_squeeze %dma_start3A_8 : memref<1x50x128xi32, #tpu.memory_space<hbm>> -> memref<50x128xi32, #tpu.memory_space<hbm>>
      %dma_start3A_10 = arith.constant 0 : i32
      %dma_start3A_11 = arith.constant 0 : i32
      %dma_start3A_12 = tpu.memref_slice %arg2[%add3A, %dma_start3A_10, %dma_start3A_11] : memref<32x50x128xi32, #tpu.memory_space<hbm>> -> memref<1x50x128xi32, #tpu.memory_space<hbm>>
      %dma_start3A_13 = tpu.memref_squeeze %dma_start3A_12 : memref<1x50x128xi32, #tpu.memory_space<hbm>> -> memref<50x128xi32, #tpu.memory_space<hbm>>
      tpu.enqueue_dma source(%dma_start3A_13 : memref<50x128xi32, #tpu.memory_space<hbm>>) target(%arg6 : memref<50x128xi32, #tpu.memory_space<vmem>>) target_semaphore(%run_scoped3A : memref<!tpu.dma_semaphore, #tpu.memory_space<semaphore_mem>>)
      %dma_wait3A = arith.constant 0 : i32
      %dma_wait3A_14 = arith.constant 0 : i32
      %dma_wait3A_15 = tpu.memref_slice %arg2[%add3A, %dma_wait3A, %dma_wait3A_14] : memref<32x50x128xi32, #tpu.memory_space<hbm>> -> memref<1x50x128xi32, #tpu.memory_space<hbm>>
      %dma_wait3A_16 = tpu.memref_squeeze %dma_wait3A_15 : memref<1x50x128xi32, #tpu.memory_space<hbm>> -> memref<50x128xi32, #tpu.memory_space<hbm>>
      %dma_wait3A_17 = arith.constant 0 : i32
      %dma_wait3A_18 = arith.constant 0 : i32
      %dma_wait3A_19 = tpu.memref_slice %arg2[%add3A, %dma_wait3A_17, %dma_wait3A_18] : memref<32x50x128xi32, #tpu.memory_space<hbm>> -> memref<1x50x128xi32, #tpu.memory_space<hbm>>
      %dma_wait3A_20 = tpu.memref_squeeze %dma_wait3A_19 : memref<1x50x128xi32, #tpu.memory_space<hbm>> -> memref<50x128xi32, #tpu.memory_space<hbm>>
      tpu.wait_dma2 semaphore(%run_scoped3A : memref<!tpu.dma_semaphore, #tpu.memory_space<semaphore_mem>>) src(%dma_wait3A_20 : memref<50x128xi32, #tpu.memory_space<hbm>>) dst(%arg6 : memref<50x128xi32, #tpu.memory_space<vmem>>)
      tpu.yield
    }) : () -> ()
    %scan3A = arith.constant 0 : i32
    %scan3A_3 = arith.constant 10 : i32
    %scan3A_4 = arith.addi %scan3A, %scan3A_3 : i32
    %scan3A_5 = arith.constant 1 : i32
    scf.for %scan3A_7 = %scan3A to %scan3A_4 step %scan3A_5  : i32 {
      %mul3A_8 = arith.constant 5 : i32
      %mul3A_9 = arith.muli %scan3A_7, %mul3A_8 : i32
      %add3A_10 = arith.constant 0 : i32
      %add3A_11 = arith.addi %add3A_10, %mul3A_9 : i32
      %add3A_12 = arith.constant 0 : i32
      %add3A_13 = arith.addi %add3A_11, %add3A_12 : i32
      %dma_start3A = arith.constant 0 : i32
      %dma_start3A_14 = arith.constant 0 : i32
      %dma_start3A_15 = arith.constant 0 : i32
      %dma_start3A_16 = arith.constant 0 : i32
      %dma_start3A_17 = tpu.memref_slice %arg7[%dma_start3A, %dma_start3A_15, %dma_start3A_16] : memref<5x128x128xf32, #tpu.memory_space<vmem>> -> memref<1x128x128xf32, #tpu.memory_space<vmem>>
      %dma_start3A_18 = tpu.memref_squeeze %dma_start3A_17 : memref<1x128x128xf32, #tpu.memory_space<vmem>> -> memref<128x128xf32, #tpu.memory_space<vmem>>
      %dma_start3A_19 = arith.constant 0 : i32
      %dma_start3A_20 = tpu.memref_slice %arg6[%add3A_13, %dma_start3A_19] : memref<50x128xi32, #tpu.memory_space<vmem>> -> memref<1x128xi32, #tpu.memory_space<vmem>>
      %dma_start3A_21 = tpu.memref_squeeze %dma_start3A_20 : memref<1x128xi32, #tpu.memory_space<vmem>> -> memref<128xi32, #tpu.memory_space<vmem>>
      %dma_start3A_22 = arith.constant 0 : i32
      %dma_start3A_23 = arith.constant 0 : i32
      %dma_start3A_24 = tpu.memref_slice %arg3[%dma_start3A_22, %dma_start3A_23] : memref<100000x128xf32, #tpu.memory_space<hbm>> -> memref<100000x128xf32, #tpu.memory_space<hbm>>
      %dma_start3A_25 = tpu.memref_slice %arg8[%dma_start3A_14] : memref<5x!tpu.dma_semaphore, #tpu.memory_space<semaphore_mem>> -> memref<1x!tpu.dma_semaphore, #tpu.memory_space<semaphore_mem>>
      %dma_start3A_26 = tpu.memref_squeeze %dma_start3A_25 : memref<1x!tpu.dma_semaphore, #tpu.memory_space<semaphore_mem>> -> memref<!tpu.dma_semaphore, #tpu.memory_space<semaphore_mem>>
      tpu.enqueue_indirect_dma source(%dma_start3A_24 : memref<100000x128xf32, #tpu.memory_space<hbm>>) target(%dma_start3A_18 : memref<128x128xf32, #tpu.memory_space<vmem>>) offsets(%dma_start3A_21 : memref<128xi32, #tpu.memory_space<vmem>>) semaphore(%dma_start3A_26 : memref<!tpu.dma_semaphore, #tpu.memory_space<semaphore_mem>>)
      %add3A_27 = arith.constant 1 : i32
      %add3A_28 = arith.addi %add3A_11, %add3A_27 : i32
      %dma_start3A_29 = arith.constant 1 : i32
      %dma_start3A_30 = arith.constant 1 : i32
      %dma_start3A_31 = arith.constant 0 : i32
      %dma_start3A_32 = arith.constant 0 : i32
      %dma_start3A_33 = tpu.memref_slice %arg7[%dma_start3A_29, %dma_start3A_31, %dma_start3A_32] : memref<5x128x128xf32, #tpu.memory_space<vmem>> -> memref<1x128x128xf32, #tpu.memory_space<vmem>>
      %dma_start3A_34 = tpu.memref_squeeze %dma_start3A_33 : memref<1x128x128xf32, #tpu.memory_space<vmem>> -> memref<128x128xf32, #tpu.memory_space<vmem>>
      %dma_start3A_35 = arith.constant 0 : i32
      %dma_start3A_36 = tpu.memref_slice %arg6[%add3A_28, %dma_start3A_35] : memref<50x128xi32, #tpu.memory_space<vmem>> -> memref<1x128xi32, #tpu.memory_space<vmem>>
      %dma_start3A_37 = tpu.memref_squeeze %dma_start3A_36 : memref<1x128xi32, #tpu.memory_space<vmem>> -> memref<128xi32, #tpu.memory_space<vmem>>
      %dma_start3A_38 = arith.constant 0 : i32
      %dma_start3A_39 = arith.constant 0 : i32
      %dma_start3A_40 = tpu.memref_slice %arg3[%dma_start3A_38, %dma_start3A_39] : memref<100000x128xf32, #tpu.memory_space<hbm>> -> memref<100000x128xf32, #tpu.memory_space<hbm>>
      %dma_start3A_41 = tpu.memref_slice %arg8[%dma_start3A_30] : memref<5x!tpu.dma_semaphore, #tpu.memory_space<semaphore_mem>> -> memref<1x!tpu.dma_semaphore, #tpu.memory_space<semaphore_mem>>
      %dma_start3A_42 = tpu.memref_squeeze %dma_start3A_41 : memref<1x!tpu.dma_semaphore, #tpu.memory_space<semaphore_mem>> -> memref<!tpu.dma_semaphore, #tpu.memory_space<semaphore_mem>>
      tpu.enqueue_indirect_dma source(%dma_start3A_40 : memref<100000x128xf32, #tpu.memory_space<hbm>>) target(%dma_start3A_34 : memref<128x128xf32, #tpu.memory_space<vmem>>) offsets(%dma_start3A_37 : memref<128xi32, #tpu.memory_space<vmem>>) semaphore(%dma_start3A_42 : memref<!tpu.dma_semaphore, #tpu.memory_space<semaphore_mem>>)
      %add3A_43 = arith.constant 2 : i32
      %add3A_44 = arith.addi %add3A_11, %add3A_43 : i32
      %dma_start3A_45 = arith.constant 2 : i32
      %dma_start3A_46 = arith.constant 2 : i32
      %dma_start3A_47 = arith.constant 0 : i32
      %dma_start3A_48 = arith.constant 0 : i32
      %dma_start3A_49 = tpu.memref_slice %arg7[%dma_start3A_45, %dma_start3A_47, %dma_start3A_48] : memref<5x128x128xf32, #tpu.memory_space<vmem>> -> memref<1x128x128xf32, #tpu.memory_space<vmem>>
      %dma_start3A_50 = tpu.memref_squeeze %dma_start3A_49 : memref<1x128x128xf32, #tpu.memory_space<vmem>> -> memref<128x128xf32, #tpu.memory_space<vmem>>
      %dma_start3A_51 = arith.constant 0 : i32
      %dma_start3A_52 = tpu.memref_slice %arg6[%add3A_44, %dma_start3A_51] : memref<50x128xi32, #tpu.memory_space<vmem>> -> memref<1x128xi32, #tpu.memory_space<vmem>>
      %dma_start3A_53 = tpu.memref_squeeze %dma_start3A_52 : memref<1x128xi32, #tpu.memory_space<vmem>> -> memref<128xi32, #tpu.memory_space<vmem>>
      %dma_start3A_54 = arith.constant 0 : i32
      %dma_start3A_55 = arith.constant 0 : i32
      %dma_start3A_56 = tpu.memref_slice %arg3[%dma_start3A_54, %dma_start3A_55] : memref<100000x128xf32, #tpu.memory_space<hbm>> -> memref<100000x128xf32, #tpu.memory_space<hbm>>
      %dma_start3A_57 = tpu.memref_slice %arg8[%dma_start3A_46] : memref<5x!tpu.dma_semaphore, #tpu.memory_space<semaphore_mem>> -> memref<1x!tpu.dma_semaphore, #tpu.memory_space<semaphore_mem>>
      %dma_start3A_58 = tpu.memref_squeeze %dma_start3A_57 : memref<1x!tpu.dma_semaphore, #tpu.memory_space<semaphore_mem>> -> memref<!tpu.dma_semaphore, #tpu.memory_space<semaphore_mem>>
      tpu.enqueue_indirect_dma source(%dma_start3A_56 : memref<100000x128xf32, #tpu.memory_space<hbm>>) target(%dma_start3A_50 : memref<128x128xf32, #tpu.memory_space<vmem>>) offsets(%dma_start3A_53 : memref<128xi32, #tpu.memory_space<vmem>>) semaphore(%dma_start3A_58 : memref<!tpu.dma_semaphore, #tpu.memory_space<semaphore_mem>>)
      %add3A_59 = arith.constant 3 : i32
      %add3A_60 = arith.addi %add3A_11, %add3A_59 : i32
      %dma_start3A_61 = arith.constant 3 : i32
      %dma_start3A_62 = arith.constant 3 : i32
      %dma_start3A_63 = arith.constant 0 : i32
      %dma_start3A_64 = arith.constant 0 : i32
      %dma_start3A_65 = tpu.memref_slice %arg7[%dma_start3A_61, %dma_start3A_63, %dma_start3A_64] : memref<5x128x128xf32, #tpu.memory_space<vmem>> -> memref<1x128x128xf32, #tpu.memory_space<vmem>>
      %dma_start3A_66 = tpu.memref_squeeze %dma_start3A_65 : memref<1x128x128xf32, #tpu.memory_space<vmem>> -> memref<128x128xf32, #tpu.memory_space<vmem>>
      %dma_start3A_67 = arith.constant 0 : i32
      %dma_start3A_68 = tpu.memref_slice %arg6[%add3A_60, %dma_start3A_67] : memref<50x128xi32, #tpu.memory_space<vmem>> -> memref<1x128xi32, #tpu.memory_space<vmem>>
      %dma_start3A_69 = tpu.memref_squeeze %dma_start3A_68 : memref<1x128xi32, #tpu.memory_space<vmem>> -> memref<128xi32, #tpu.memory_space<vmem>>
      %dma_start3A_70 = arith.constant 0 : i32
      %dma_start3A_71 = arith.constant 0 : i32
      %dma_start3A_72 = tpu.memref_slice %arg3[%dma_start3A_70, %dma_start3A_71] : memref<100000x128xf32, #tpu.memory_space<hbm>> -> memref<100000x128xf32, #tpu.memory_space<hbm>>
      %dma_start3A_73 = tpu.memref_slice %arg8[%dma_start3A_62] : memref<5x!tpu.dma_semaphore, #tpu.memory_space<semaphore_mem>> -> memref<1x!tpu.dma_semaphore, #tpu.memory_space<semaphore_mem>>
      %dma_start3A_74 = tpu.memref_squeeze %dma_start3A_73 : memref<1x!tpu.dma_semaphore, #tpu.memory_space<semaphore_mem>> -> memref<!tpu.dma_semaphore, #tpu.memory_space<semaphore_mem>>
      tpu.enqueue_indirect_dma source(%dma_start3A_72 : memref<100000x128xf32, #tpu.memory_space<hbm>>) target(%dma_start3A_66 : memref<128x128xf32, #tpu.memory_space<vmem>>) offsets(%dma_start3A_69 : memref<128xi32, #tpu.memory_space<vmem>>) semaphore(%dma_start3A_74 : memref<!tpu.dma_semaphore, #tpu.memory_space<semaphore_mem>>)
      %add3A_75 = arith.constant 4 : i32
      %add3A_76 = arith.addi %add3A_11, %add3A_75 : i32
      %dma_start3A_77 = arith.constant 4 : i32
      %dma_start3A_78 = arith.constant 4 : i32
      %dma_start3A_79 = arith.constant 0 : i32
      %dma_start3A_80 = arith.constant 0 : i32
      %dma_start3A_81 = tpu.memref_slice %arg7[%dma_start3A_77, %dma_start3A_79, %dma_start3A_80] : memref<5x128x128xf32, #tpu.memory_space<vmem>> -> memref<1x128x128xf32, #tpu.memory_space<vmem>>
      %dma_start3A_82 = tpu.memref_squeeze %dma_start3A_81 : memref<1x128x128xf32, #tpu.memory_space<vmem>> -> memref<128x128xf32, #tpu.memory_space<vmem>>
      %dma_start3A_83 = arith.constant 0 : i32
      %dma_start3A_84 = tpu.memref_slice %arg6[%add3A_76, %dma_start3A_83] : memref<50x128xi32, #tpu.memory_space<vmem>> -> memref<1x128xi32, #tpu.memory_space<vmem>>
      %dma_start3A_85 = tpu.memref_squeeze %dma_start3A_84 : memref<1x128xi32, #tpu.memory_space<vmem>> -> memref<128xi32, #tpu.memory_space<vmem>>
      %dma_start3A_86 = arith.constant 0 : i32
      %dma_start3A_87 = arith.constant 0 : i32
      %dma_start3A_88 = tpu.memref_slice %arg3[%dma_start3A_86, %dma_start3A_87] : memref<100000x128xf32, #tpu.memory_space<hbm>> -> memref<100000x128xf32, #tpu.memory_space<hbm>>
      %dma_start3A_89 = tpu.memref_slice %arg8[%dma_start3A_78] : memref<5x!tpu.dma_semaphore, #tpu.memory_space<semaphore_mem>> -> memref<1x!tpu.dma_semaphore, #tpu.memory_space<semaphore_mem>>
      %dma_start3A_90 = tpu.memref_squeeze %dma_start3A_89 : memref<1x!tpu.dma_semaphore, #tpu.memory_space<semaphore_mem>> -> memref<!tpu.dma_semaphore, #tpu.memory_space<semaphore_mem>>
      tpu.enqueue_indirect_dma source(%dma_start3A_88 : memref<100000x128xf32, #tpu.memory_space<hbm>>) target(%dma_start3A_82 : memref<128x128xf32, #tpu.memory_space<vmem>>) offsets(%dma_start3A_85 : memref<128xi32, #tpu.memory_space<vmem>>) semaphore(%dma_start3A_90 : memref<!tpu.dma_semaphore, #tpu.memory_space<semaphore_mem>>)
      %dma_wait3A = arith.constant 0 : i32
      %dma_wait3A_91 = arith.constant 0 : i32
      %dma_wait3A_92 = arith.constant 0 : i32
      %dma_wait3A_93 = arith.constant 0 : i32
      %dma_wait3A_94 = tpu.memref_slice %arg7[%dma_wait3A, %dma_wait3A_92, %dma_wait3A_93] : memref<5x128x128xf32, #tpu.memory_space<vmem>> -> memref<1x128x128xf32, #tpu.memory_space<vmem>>
      %dma_wait3A_95 = tpu.memref_squeeze %dma_wait3A_94 : memref<1x128x128xf32, #tpu.memory_space<vmem>> -> memref<128x128xf32, #tpu.memory_space<vmem>>
      %dma_wait3A_96 = arith.constant 0 : i32
      %dma_wait3A_97 = tpu.memref_slice %arg6[%add3A_13, %dma_wait3A_96] : memref<50x128xi32, #tpu.memory_space<vmem>> -> memref<1x128xi32, #tpu.memory_space<vmem>>
      %dma_wait3A_98 = tpu.memref_squeeze %dma_wait3A_97 : memref<1x128xi32, #tpu.memory_space<vmem>> -> memref<128xi32, #tpu.memory_space<vmem>>
      %dma_wait3A_99 = arith.constant 0 : i32
      %dma_wait3A_100 = arith.constant 0 : i32
      %dma_wait3A_101 = tpu.memref_slice %arg3[%dma_wait3A_99, %dma_wait3A_100] : memref<100000x128xf32, #tpu.memory_space<hbm>> -> memref<100000x128xf32, #tpu.memory_space<hbm>>
      %dma_wait3A_102 = tpu.memref_slice %arg8[%dma_wait3A_91] : memref<5x!tpu.dma_semaphore, #tpu.memory_space<semaphore_mem>> -> memref<1x!tpu.dma_semaphore, #tpu.memory_space<semaphore_mem>>
      %dma_wait3A_103 = tpu.memref_squeeze %dma_wait3A_102 : memref<1x!tpu.dma_semaphore, #tpu.memory_space<semaphore_mem>> -> memref<!tpu.dma_semaphore, #tpu.memory_space<semaphore_mem>>
      tpu.wait_indirect_dma semaphore(%dma_wait3A_103 : memref<!tpu.dma_semaphore, #tpu.memory_space<semaphore_mem>>) src(%dma_wait3A_101 : memref<100000x128xf32, #tpu.memory_space<hbm>>) dst(%dma_wait3A_95 : memref<128x128xf32, #tpu.memory_space<vmem>>)
      %add3A_104 = arith.constant 0 : i32
      %add3A_105 = arith.addi %add3A_11, %add3A_104 : i32
      %dma_start3A_106 = arith.constant 0 : i32
      %dma_start3A_107 = arith.constant 0 : i32
      %dma_start3A_108 = arith.constant 0 : i32
      %dma_start3A_109 = arith.constant 0 : i32
      %dma_start3A_110 = tpu.memref_slice %arg7[%dma_start3A_106, %dma_start3A_108, %dma_start3A_109] : memref<5x128x128xf32, #tpu.memory_space<vmem>> -> memref<1x128x128xf32, #tpu.memory_space<vmem>>
      %dma_start3A_111 = tpu.memref_squeeze %dma_start3A_110 : memref<1x128x128xf32, #tpu.memory_space<vmem>> -> memref<128x128xf32, #tpu.memory_space<vmem>>
      %dma_start3A_112 = arith.constant 0 : i32
      %dma_start3A_113 = tpu.memref_slice %arg6[%add3A_105, %dma_start3A_112] : memref<50x128xi32, #tpu.memory_space<vmem>> -> memref<1x128xi32, #tpu.memory_space<vmem>>
      %dma_start3A_114 = tpu.memref_squeeze %dma_start3A_113 : memref<1x128xi32, #tpu.memory_space<vmem>> -> memref<128xi32, #tpu.memory_space<vmem>>
      %dma_start3A_115 = arith.constant 0 : i32
      %dma_start3A_116 = arith.constant 0 : i32
      %dma_start3A_117 = tpu.memref_slice %arg4[%dma_start3A_115, %dma_start3A_116] : memref<100000x128xf32, #tpu.memory_space<hbm>> -> memref<100000x128xf32, #tpu.memory_space<hbm>>
      %dma_start3A_118 = tpu.memref_slice %arg9[%dma_start3A_107] : memref<5x!tpu.dma_semaphore, #tpu.memory_space<semaphore_mem>> -> memref<1x!tpu.dma_semaphore, #tpu.memory_space<semaphore_mem>>
      %dma_start3A_119 = tpu.memref_squeeze %dma_start3A_118 : memref<1x!tpu.dma_semaphore, #tpu.memory_space<semaphore_mem>> -> memref<!tpu.dma_semaphore, #tpu.memory_space<semaphore_mem>>
      tpu.enqueue_indirect_dma source(%dma_start3A_117 : memref<100000x128xf32, #tpu.memory_space<hbm>>) target(%dma_start3A_111 : memref<128x128xf32, #tpu.memory_space<vmem>>) offsets(%dma_start3A_114 : memref<128xi32, #tpu.memory_space<vmem>>) semaphore(%dma_start3A_119 : memref<!tpu.dma_semaphore, #tpu.memory_space<semaphore_mem>>) {add = true}
      %dma_wait3A_120 = arith.constant 1 : i32
      %dma_wait3A_121 = arith.constant 1 : i32
      %dma_wait3A_122 = arith.constant 0 : i32
      %dma_wait3A_123 = arith.constant 0 : i32
      %dma_wait3A_124 = tpu.memref_slice %arg7[%dma_wait3A_120, %dma_wait3A_122, %dma_wait3A_123] : memref<5x128x128xf32, #tpu.memory_space<vmem>> -> memref<1x128x128xf32, #tpu.memory_space<vmem>>
      %dma_wait3A_125 = tpu.memref_squeeze %dma_wait3A_124 : memref<1x128x128xf32, #tpu.memory_space<vmem>> -> memref<128x128xf32, #tpu.memory_space<vmem>>
      %dma_wait3A_126 = arith.constant 0 : i32
      %dma_wait3A_127 = tpu.memref_slice %arg6[%add3A_28, %dma_wait3A_126] : memref<50x128xi32, #tpu.memory_space<vmem>> -> memref<1x128xi32, #tpu.memory_space<vmem>>
      %dma_wait3A_128 = tpu.memref_squeeze %dma_wait3A_127 : memref<1x128xi32, #tpu.memory_space<vmem>> -> memref<128xi32, #tpu.memory_space<vmem>>
      %dma_wait3A_129 = arith.constant 0 : i32
      %dma_wait3A_130 = arith.constant 0 : i32
      %dma_wait3A_131 = tpu.memref_slice %arg3[%dma_wait3A_129, %dma_wait3A_130] : memref<100000x128xf32, #tpu.memory_space<hbm>> -> memref<100000x128xf32, #tpu.memory_space<hbm>>
      %dma_wait3A_132 = tpu.memref_slice %arg8[%dma_wait3A_121] : memref<5x!tpu.dma_semaphore, #tpu.memory_space<semaphore_mem>> -> memref<1x!tpu.dma_semaphore, #tpu.memory_space<semaphore_mem>>
      %dma_wait3A_133 = tpu.memref_squeeze %dma_wait3A_132 : memref<1x!tpu.dma_semaphore, #tpu.memory_space<semaphore_mem>> -> memref<!tpu.dma_semaphore, #tpu.memory_space<semaphore_mem>>
      tpu.wait_indirect_dma semaphore(%dma_wait3A_133 : memref<!tpu.dma_semaphore, #tpu.memory_space<semaphore_mem>>) src(%dma_wait3A_131 : memref<100000x128xf32, #tpu.memory_space<hbm>>) dst(%dma_wait3A_125 : memref<128x128xf32, #tpu.memory_space<vmem>>)
      %add3A_134 = arith.constant 1 : i32
      %add3A_135 = arith.addi %add3A_11, %add3A_134 : i32
      %dma_start3A_136 = arith.constant 1 : i32
      %dma_start3A_137 = arith.constant 1 : i32
      %dma_start3A_138 = arith.constant 0 : i32
      %dma_start3A_139 = arith.constant 0 : i32
      %dma_start3A_140 = tpu.memref_slice %arg7[%dma_start3A_136, %dma_start3A_138, %dma_start3A_139] : memref<5x128x128xf32, #tpu.memory_space<vmem>> -> memref<1x128x128xf32, #tpu.memory_space<vmem>>
      %dma_start3A_141 = tpu.memref_squeeze %dma_start3A_140 : memref<1x128x128xf32, #tpu.memory_space<vmem>> -> memref<128x128xf32, #tpu.memory_space<vmem>>
      %dma_start3A_142 = arith.constant 0 : i32
      %dma_start3A_143 = tpu.memref_slice %arg6[%add3A_135, %dma_start3A_142] : memref<50x128xi32, #tpu.memory_space<vmem>> -> memref<1x128xi32, #tpu.memory_space<vmem>>
      %dma_start3A_144 = tpu.memref_squeeze %dma_start3A_143 : memref<1x128xi32, #tpu.memory_space<vmem>> -> memref<128xi32, #tpu.memory_space<vmem>>
      %dma_start3A_145 = arith.constant 0 : i32
      %dma_start3A_146 = arith.constant 0 : i32
      %dma_start3A_147 = tpu.memref_slice %arg4[%dma_start3A_145, %dma_start3A_146] : memref<100000x128xf32, #tpu.memory_space<hbm>> -> memref<100000x128xf32, #tpu.memory_space<hbm>>
      %dma_start3A_148 = tpu.memref_slice %arg9[%dma_start3A_137] : memref<5x!tpu.dma_semaphore, #tpu.memory_space<semaphore_mem>> -> memref<1x!tpu.dma_semaphore, #tpu.memory_space<semaphore_mem>>
      %dma_start3A_149 = tpu.memref_squeeze %dma_start3A_148 : memref<1x!tpu.dma_semaphore, #tpu.memory_space<semaphore_mem>> -> memref<!tpu.dma_semaphore, #tpu.memory_space<semaphore_mem>>
      tpu.enqueue_indirect_dma source(%dma_start3A_147 : memref<100000x128xf32, #tpu.memory_space<hbm>>) target(%dma_start3A_141 : memref<128x128xf32, #tpu.memory_space<vmem>>) offsets(%dma_start3A_144 : memref<128xi32, #tpu.memory_space<vmem>>) semaphore(%dma_start3A_149 : memref<!tpu.dma_semaphore, #tpu.memory_space<semaphore_mem>>) {add = true}
      %dma_wait3A_150 = arith.constant 2 : i32
      %dma_wait3A_151 = arith.constant 2 : i32
      %dma_wait3A_152 = arith.constant 0 : i32
      %dma_wait3A_153 = arith.constant 0 : i32
      %dma_wait3A_154 = tpu.memref_slice %arg7[%dma_wait3A_150, %dma_wait3A_152, %dma_wait3A_153] : memref<5x128x128xf32, #tpu.memory_space<vmem>> -> memref<1x128x128xf32, #tpu.memory_space<vmem>>
      %dma_wait3A_155 = tpu.memref_squeeze %dma_wait3A_154 : memref<1x128x128xf32, #tpu.memory_space<vmem>> -> memref<128x128xf32, #tpu.memory_space<vmem>>
      %dma_wait3A_156 = arith.constant 0 : i32
      %dma_wait3A_157 = tpu.memref_slice %arg6[%add3A_44, %dma_wait3A_156] : memref<50x128xi32, #tpu.memory_space<vmem>> -> memref<1x128xi32, #tpu.memory_space<vmem>>
      %dma_wait3A_158 = tpu.memref_squeeze %dma_wait3A_157 : memref<1x128xi32, #tpu.memory_space<vmem>> -> memref<128xi32, #tpu.memory_space<vmem>>
      %dma_wait3A_159 = arith.constant 0 : i32
      %dma_wait3A_160 = arith.constant 0 : i32
      %dma_wait3A_161 = tpu.memref_slice %arg3[%dma_wait3A_159, %dma_wait3A_160] : memref<100000x128xf32, #tpu.memory_space<hbm>> -> memref<100000x128xf32, #tpu.memory_space<hbm>>
      %dma_wait3A_162 = tpu.memref_slice %arg8[%dma_wait3A_151] : memref<5x!tpu.dma_semaphore, #tpu.memory_space<semaphore_mem>> -> memref<1x!tpu.dma_semaphore, #tpu.memory_space<semaphore_mem>>
      %dma_wait3A_163 = tpu.memref_squeeze %dma_wait3A_162 : memref<1x!tpu.dma_semaphore, #tpu.memory_space<semaphore_mem>> -> memref<!tpu.dma_semaphore, #tpu.memory_space<semaphore_mem>>
      tpu.wait_indirect_dma semaphore(%dma_wait3A_163 : memref<!tpu.dma_semaphore, #tpu.memory_space<semaphore_mem>>) src(%dma_wait3A_161 : memref<100000x128xf32, #tpu.memory_space<hbm>>) dst(%dma_wait3A_155 : memref<128x128xf32, #tpu.memory_space<vmem>>)
      %add3A_164 = arith.constant 2 : i32
      %add3A_165 = arith.addi %add3A_11, %add3A_164 : i32
      %dma_start3A_166 = arith.constant 2 : i32
      %dma_start3A_167 = arith.constant 2 : i32
      %dma_start3A_168 = arith.constant 0 : i32
      %dma_start3A_169 = arith.constant 0 : i32
      %dma_start3A_170 = tpu.memref_slice %arg7[%dma_start3A_166, %dma_start3A_168, %dma_start3A_169] : memref<5x128x128xf32, #tpu.memory_space<vmem>> -> memref<1x128x128xf32, #tpu.memory_space<vmem>>
      %dma_start3A_171 = tpu.memref_squeeze %dma_start3A_170 : memref<1x128x128xf32, #tpu.memory_space<vmem>> -> memref<128x128xf32, #tpu.memory_space<vmem>>
      %dma_start3A_172 = arith.constant 0 : i32
      %dma_start3A_173 = tpu.memref_slice %arg6[%add3A_165, %dma_start3A_172] : memref<50x128xi32, #tpu.memory_space<vmem>> -> memref<1x128xi32, #tpu.memory_space<vmem>>
      %dma_start3A_174 = tpu.memref_squeeze %dma_start3A_173 : memref<1x128xi32, #tpu.memory_space<vmem>> -> memref<128xi32, #tpu.memory_space<vmem>>
      %dma_start3A_175 = arith.constant 0 : i32
      %dma_start3A_176 = arith.constant 0 : i32
      %dma_start3A_177 = tpu.memref_slice %arg4[%dma_start3A_175, %dma_start3A_176] : memref<100000x128xf32, #tpu.memory_space<hbm>> -> memref<100000x128xf32, #tpu.memory_space<hbm>>
      %dma_start3A_178 = tpu.memref_slice %arg9[%dma_start3A_167] : memref<5x!tpu.dma_semaphore, #tpu.memory_space<semaphore_mem>> -> memref<1x!tpu.dma_semaphore, #tpu.memory_space<semaphore_mem>>
      %dma_start3A_179 = tpu.memref_squeeze %dma_start3A_178 : memref<1x!tpu.dma_semaphore, #tpu.memory_space<semaphore_mem>> -> memref<!tpu.dma_semaphore, #tpu.memory_space<semaphore_mem>>
      tpu.enqueue_indirect_dma source(%dma_start3A_177 : memref<100000x128xf32, #tpu.memory_space<hbm>>) target(%dma_start3A_171 : memref<128x128xf32, #tpu.memory_space<vmem>>) offsets(%dma_start3A_174 : memref<128xi32, #tpu.memory_space<vmem>>) semaphore(%dma_start3A_179 : memref<!tpu.dma_semaphore, #tpu.memory_space<semaphore_mem>>) {add = true}
      %dma_wait3A_180 = arith.constant 3 : i32
      %dma_wait3A_181 = arith.constant 3 : i32
      %dma_wait3A_182 = arith.constant 0 : i32
      %dma_wait3A_183 = arith.constant 0 : i32
      %dma_wait3A_184 = tpu.memref_slice %arg7[%dma_wait3A_180, %dma_wait3A_182, %dma_wait3A_183] : memref<5x128x128xf32, #tpu.memory_space<vmem>> -> memref<1x128x128xf32, #tpu.memory_space<vmem>>
      %dma_wait3A_185 = tpu.memref_squeeze %dma_wait3A_184 : memref<1x128x128xf32, #tpu.memory_space<vmem>> -> memref<128x128xf32, #tpu.memory_space<vmem>>
      %dma_wait3A_186 = arith.constant 0 : i32
      %dma_wait3A_187 = tpu.memref_slice %arg6[%add3A_60, %dma_wait3A_186] : memref<50x128xi32, #tpu.memory_space<vmem>> -> memref<1x128xi32, #tpu.memory_space<vmem>>
      %dma_wait3A_188 = tpu.memref_squeeze %dma_wait3A_187 : memref<1x128xi32, #tpu.memory_space<vmem>> -> memref<128xi32, #tpu.memory_space<vmem>>
      %dma_wait3A_189 = arith.constant 0 : i32
      %dma_wait3A_190 = arith.constant 0 : i32
      %dma_wait3A_191 = tpu.memref_slice %arg3[%dma_wait3A_189, %dma_wait3A_190] : memref<100000x128xf32, #tpu.memory_space<hbm>> -> memref<100000x128xf32, #tpu.memory_space<hbm>>
      %dma_wait3A_192 = tpu.memref_slice %arg8[%dma_wait3A_181] : memref<5x!tpu.dma_semaphore, #tpu.memory_space<semaphore_mem>> -> memref<1x!tpu.dma_semaphore, #tpu.memory_space<semaphore_mem>>
      %dma_wait3A_193 = tpu.memref_squeeze %dma_wait3A_192 : memref<1x!tpu.dma_semaphore, #tpu.memory_space<semaphore_mem>> -> memref<!tpu.dma_semaphore, #tpu.memory_space<semaphore_mem>>
      tpu.wait_indirect_dma semaphore(%dma_wait3A_193 : memref<!tpu.dma_semaphore, #tpu.memory_space<semaphore_mem>>) src(%dma_wait3A_191 : memref<100000x128xf32, #tpu.memory_space<hbm>>) dst(%dma_wait3A_185 : memref<128x128xf32, #tpu.memory_space<vmem>>)
      %add3A_194 = arith.constant 3 : i32
      %add3A_195 = arith.addi %add3A_11, %add3A_194 : i32
      %dma_start3A_196 = arith.constant 3 : i32
      %dma_start3A_197 = arith.constant 3 : i32
      %dma_start3A_198 = arith.constant 0 : i32
      %dma_start3A_199 = arith.constant 0 : i32
      %dma_start3A_200 = tpu.memref_slice %arg7[%dma_start3A_196, %dma_start3A_198, %dma_start3A_199] : memref<5x128x128xf32, #tpu.memory_space<vmem>> -> memref<1x128x128xf32, #tpu.memory_space<vmem>>
      %dma_start3A_201 = tpu.memref_squeeze %dma_start3A_200 : memref<1x128x128xf32, #tpu.memory_space<vmem>> -> memref<128x128xf32, #tpu.memory_space<vmem>>
      %dma_start3A_202 = arith.constant 0 : i32
      %dma_start3A_203 = tpu.memref_slice %arg6[%add3A_195, %dma_start3A_202] : memref<50x128xi32, #tpu.memory_space<vmem>> -> memref<1x128xi32, #tpu.memory_space<vmem>>
      %dma_start3A_204 = tpu.memref_squeeze %dma_start3A_203 : memref<1x128xi32, #tpu.memory_space<vmem>> -> memref<128xi32, #tpu.memory_space<vmem>>
      %dma_start3A_205 = arith.constant 0 : i32
      %dma_start3A_206 = arith.constant 0 : i32
      %dma_start3A_207 = tpu.memref_slice %arg4[%dma_start3A_205, %dma_start3A_206] : memref<100000x128xf32, #tpu.memory_space<hbm>> -> memref<100000x128xf32, #tpu.memory_space<hbm>>
      %dma_start3A_208 = tpu.memref_slice %arg9[%dma_start3A_197] : memref<5x!tpu.dma_semaphore, #tpu.memory_space<semaphore_mem>> -> memref<1x!tpu.dma_semaphore, #tpu.memory_space<semaphore_mem>>
      %dma_start3A_209 = tpu.memref_squeeze %dma_start3A_208 : memref<1x!tpu.dma_semaphore, #tpu.memory_space<semaphore_mem>> -> memref<!tpu.dma_semaphore, #tpu.memory_space<semaphore_mem>>
      tpu.enqueue_indirect_dma source(%dma_start3A_207 : memref<100000x128xf32, #tpu.memory_space<hbm>>) target(%dma_start3A_201 : memref<128x128xf32, #tpu.memory_space<vmem>>) offsets(%dma_start3A_204 : memref<128xi32, #tpu.memory_space<vmem>>) semaphore(%dma_start3A_209 : memref<!tpu.dma_semaphore, #tpu.memory_space<semaphore_mem>>) {add = true}
      %dma_wait3A_210 = arith.constant 4 : i32
      %dma_wait3A_211 = arith.constant 4 : i32
      %dma_wait3A_212 = arith.constant 0 : i32
      %dma_wait3A_213 = arith.constant 0 : i32
      %dma_wait3A_214 = tpu.memref_slice %arg7[%dma_wait3A_210, %dma_wait3A_212, %dma_wait3A_213] : memref<5x128x128xf32, #tpu.memory_space<vmem>> -> memref<1x128x128xf32, #tpu.memory_space<vmem>>
      %dma_wait3A_215 = tpu.memref_squeeze %dma_wait3A_214 : memref<1x128x128xf32, #tpu.memory_space<vmem>> -> memref<128x128xf32, #tpu.memory_space<vmem>>
      %dma_wait3A_216 = arith.constant 0 : i32
      %dma_wait3A_217 = tpu.memref_slice %arg6[%add3A_76, %dma_wait3A_216] : memref<50x128xi32, #tpu.memory_space<vmem>> -> memref<1x128xi32, #tpu.memory_space<vmem>>
      %dma_wait3A_218 = tpu.memref_squeeze %dma_wait3A_217 : memref<1x128xi32, #tpu.memory_space<vmem>> -> memref<128xi32, #tpu.memory_space<vmem>>
      %dma_wait3A_219 = arith.constant 0 : i32
      %dma_wait3A_220 = arith.constant 0 : i32
      %dma_wait3A_221 = tpu.memref_slice %arg3[%dma_wait3A_219, %dma_wait3A_220] : memref<100000x128xf32, #tpu.memory_space<hbm>> -> memref<100000x128xf32, #tpu.memory_space<hbm>>
      %dma_wait3A_222 = tpu.memref_slice %arg8[%dma_wait3A_211] : memref<5x!tpu.dma_semaphore, #tpu.memory_space<semaphore_mem>> -> memref<1x!tpu.dma_semaphore, #tpu.memory_space<semaphore_mem>>
      %dma_wait3A_223 = tpu.memref_squeeze %dma_wait3A_222 : memref<1x!tpu.dma_semaphore, #tpu.memory_space<semaphore_mem>> -> memref<!tpu.dma_semaphore, #tpu.memory_space<semaphore_mem>>
      tpu.wait_indirect_dma semaphore(%dma_wait3A_223 : memref<!tpu.dma_semaphore, #tpu.memory_space<semaphore_mem>>) src(%dma_wait3A_221 : memref<100000x128xf32, #tpu.memory_space<hbm>>) dst(%dma_wait3A_215 : memref<128x128xf32, #tpu.memory_space<vmem>>)
      %add3A_224 = arith.constant 4 : i32
      %add3A_225 = arith.addi %add3A_11, %add3A_224 : i32
      %dma_start3A_226 = arith.constant 4 : i32
      %dma_start3A_227 = arith.constant 4 : i32
      %dma_start3A_228 = arith.constant 0 : i32
      %dma_start3A_229 = arith.constant 0 : i32
      %dma_start3A_230 = tpu.memref_slice %arg7[%dma_start3A_226, %dma_start3A_228, %dma_start3A_229] : memref<5x128x128xf32, #tpu.memory_space<vmem>> -> memref<1x128x128xf32, #tpu.memory_space<vmem>>
      %dma_start3A_231 = tpu.memref_squeeze %dma_start3A_230 : memref<1x128x128xf32, #tpu.memory_space<vmem>> -> memref<128x128xf32, #tpu.memory_space<vmem>>
      %dma_start3A_232 = arith.constant 0 : i32
      %dma_start3A_233 = tpu.memref_slice %arg6[%add3A_225, %dma_start3A_232] : memref<50x128xi32, #tpu.memory_space<vmem>> -> memref<1x128xi32, #tpu.memory_space<vmem>>
      %dma_start3A_234 = tpu.memref_squeeze %dma_start3A_233 : memref<1x128xi32, #tpu.memory_space<vmem>> -> memref<128xi32, #tpu.memory_space<vmem>>
      %dma_start3A_235 = arith.constant 0 : i32
      %dma_start3A_236 = arith.constant 0 : i32
      %dma_start3A_237 = tpu.memref_slice %arg4[%dma_start3A_235, %dma_start3A_236] : memref<100000x128xf32, #tpu.memory_space<hbm>> -> memref<100000x128xf32, #tpu.memory_space<hbm>>
      %dma_start3A_238 = tpu.memref_slice %arg9[%dma_start3A_227] : memref<5x!tpu.dma_semaphore, #tpu.memory_space<semaphore_mem>> -> memref<1x!tpu.dma_semaphore, #tpu.memory_space<semaphore_mem>>
      %dma_start3A_239 = tpu.memref_squeeze %dma_start3A_238 : memref<1x!tpu.dma_semaphore, #tpu.memory_space<semaphore_mem>> -> memref<!tpu.dma_semaphore, #tpu.memory_space<semaphore_mem>>
      tpu.enqueue_indirect_dma source(%dma_start3A_237 : memref<100000x128xf32, #tpu.memory_space<hbm>>) target(%dma_start3A_231 : memref<128x128xf32, #tpu.memory_space<vmem>>) offsets(%dma_start3A_234 : memref<128xi32, #tpu.memory_space<vmem>>) semaphore(%dma_start3A_239 : memref<!tpu.dma_semaphore, #tpu.memory_space<semaphore_mem>>) {add = true}
      %dma_wait3A_240 = arith.constant 0 : i32
      %dma_wait3A_241 = arith.constant 0 : i32
      %dma_wait3A_242 = arith.constant 0 : i32
      %dma_wait3A_243 = arith.constant 0 : i32
      %dma_wait3A_244 = tpu.memref_slice %arg7[%dma_wait3A_240, %dma_wait3A_242, %dma_wait3A_243] : memref<5x128x128xf32, #tpu.memory_space<vmem>> -> memref<1x128x128xf32, #tpu.memory_space<vmem>>
      %dma_wait3A_245 = tpu.memref_squeeze %dma_wait3A_244 : memref<1x128x128xf32, #tpu.memory_space<vmem>> -> memref<128x128xf32, #tpu.memory_space<vmem>>
      %dma_wait3A_246 = arith.constant 0 : i32
      %dma_wait3A_247 = tpu.memref_slice %arg6[%add3A_105, %dma_wait3A_246] : memref<50x128xi32, #tpu.memory_space<vmem>> -> memref<1x128xi32, #tpu.memory_space<vmem>>
      %dma_wait3A_248 = tpu.memref_squeeze %dma_wait3A_247 : memref<1x128xi32, #tpu.memory_space<vmem>> -> memref<128xi32, #tpu.memory_space<vmem>>
      %dma_wait3A_249 = arith.constant 0 : i32
      %dma_wait3A_250 = arith.constant 0 : i32
      %dma_wait3A_251 = tpu.memref_slice %arg4[%dma_wait3A_249, %dma_wait3A_250] : memref<100000x128xf32, #tpu.memory_space<hbm>> -> memref<100000x128xf32, #tpu.memory_space<hbm>>
      %dma_wait3A_252 = tpu.memref_slice %arg9[%dma_wait3A_241] : memref<5x!tpu.dma_semaphore, #tpu.memory_space<semaphore_mem>> -> memref<1x!tpu.dma_semaphore, #tpu.memory_space<semaphore_mem>>
      %dma_wait3A_253 = tpu.memref_squeeze %dma_wait3A_252 : memref<1x!tpu.dma_semaphore, #tpu.memory_space<semaphore_mem>> -> memref<!tpu.dma_semaphore, #tpu.memory_space<semaphore_mem>>
      tpu.wait_indirect_dma semaphore(%dma_wait3A_253 : memref<!tpu.dma_semaphore, #tpu.memory_space<semaphore_mem>>) src(%dma_wait3A_251 : memref<100000x128xf32, #tpu.memory_space<hbm>>) dst(%dma_wait3A_245 : memref<128x128xf32, #tpu.memory_space<vmem>>)
      %add3A_254 = arith.constant 0 : i32
      %add3A_255 = arith.addi %add3A_11, %add3A_254 : i32
      %mul3A_256 = arith.constant 128 : i32
      %mul3A_257 = arith.muli %add3A_255, %mul3A_256 : i32
      %add3A_258 = arith.addi %mul3A_2, %mul3A_257 : i32
      %dma_start3A_259 = arith.constant 0 : i32
      %dma_start3A_260 = arith.constant 0 : i32
      %dma_start3A_261 = arith.constant 0 : i32
      %dma_start3A_262 = arith.constant 0 : i32
      %dma_start3A_263 = tpu.memref_slice %arg7[%dma_start3A_259, %dma_start3A_261, %dma_start3A_262] : memref<5x128x128xf32, #tpu.memory_space<vmem>> -> memref<1x128x128xf32, #tpu.memory_space<vmem>>
      %dma_start3A_264 = tpu.memref_squeeze %dma_start3A_263 : memref<1x128x128xf32, #tpu.memory_space<vmem>> -> memref<128x128xf32, #tpu.memory_space<vmem>>
      %dma_start3A_265 = arith.constant 0 : i32
      %dma_start3A_266 = tpu.memref_slice %arg5[%add3A_258, %dma_start3A_265] : memref<204800x128xf32, #tpu.memory_space<hbm>> -> memref<128x128xf32, #tpu.memory_space<hbm>>
      %dma_start3A_267 = tpu.memref_slice %arg10[%dma_start3A_260] : memref<5x!tpu.dma_semaphore, #tpu.memory_space<semaphore_mem>> -> memref<1x!tpu.dma_semaphore, #tpu.memory_space<semaphore_mem>>
      %dma_start3A_268 = tpu.memref_squeeze %dma_start3A_267 : memref<1x!tpu.dma_semaphore, #tpu.memory_space<semaphore_mem>> -> memref<!tpu.dma_semaphore, #tpu.memory_space<semaphore_mem>>
      %dma_start3A_269 = arith.constant 0 : i32
      %dma_start3A_270 = tpu.memref_slice %arg5[%add3A_258, %dma_start3A_269] : memref<204800x128xf32, #tpu.memory_space<hbm>> -> memref<128x128xf32, #tpu.memory_space<hbm>>
      %dma_start3A_271 = arith.constant 0 : i32
      %dma_start3A_272 = arith.constant 0 : i32
      %dma_start3A_273 = tpu.memref_slice %arg7[%dma_start3A_259, %dma_start3A_271, %dma_start3A_272] : memref<5x128x128xf32, #tpu.memory_space<vmem>> -> memref<1x128x128xf32, #tpu.memory_space<vmem>>
      %dma_start3A_274 = tpu.memref_squeeze %dma_start3A_273 : memref<1x128x128xf32, #tpu.memory_space<vmem>> -> memref<128x128xf32, #tpu.memory_space<vmem>>
      tpu.enqueue_dma source(%dma_start3A_274 : memref<128x128xf32, #tpu.memory_space<vmem>>) target(%dma_start3A_270 : memref<128x128xf32, #tpu.memory_space<hbm>>) target_semaphore(%dma_start3A_268 : memref<!tpu.dma_semaphore, #tpu.memory_space<semaphore_mem>>)
      %dma_wait3A_275 = arith.constant 1 : i32
      %dma_wait3A_276 = arith.constant 1 : i32
      %dma_wait3A_277 = arith.constant 0 : i32
      %dma_wait3A_278 = arith.constant 0 : i32
      %dma_wait3A_279 = tpu.memref_slice %arg7[%dma_wait3A_275, %dma_wait3A_277, %dma_wait3A_278] : memref<5x128x128xf32, #tpu.memory_space<vmem>> -> memref<1x128x128xf32, #tpu.memory_space<vmem>>
      %dma_wait3A_280 = tpu.memref_squeeze %dma_wait3A_279 : memref<1x128x128xf32, #tpu.memory_space<vmem>> -> memref<128x128xf32, #tpu.memory_space<vmem>>
      %dma_wait3A_281 = arith.constant 0 : i32
      %dma_wait3A_282 = tpu.memref_slice %arg6[%add3A_135, %dma_wait3A_281] : memref<50x128xi32, #tpu.memory_space<vmem>> -> memref<1x128xi32, #tpu.memory_space<vmem>>
      %dma_wait3A_283 = tpu.memref_squeeze %dma_wait3A_282 : memref<1x128xi32, #tpu.memory_space<vmem>> -> memref<128xi32, #tpu.memory_space<vmem>>
      %dma_wait3A_284 = arith.constant 0 : i32
      %dma_wait3A_285 = arith.constant 0 : i32
      %dma_wait3A_286 = tpu.memref_slice %arg4[%dma_wait3A_284, %dma_wait3A_285] : memref<100000x128xf32, #tpu.memory_space<hbm>> -> memref<100000x128xf32, #tpu.memory_space<hbm>>
      %dma_wait3A_287 = tpu.memref_slice %arg9[%dma_wait3A_276] : memref<5x!tpu.dma_semaphore, #tpu.memory_space<semaphore_mem>> -> memref<1x!tpu.dma_semaphore, #tpu.memory_space<semaphore_mem>>
      %dma_wait3A_288 = tpu.memref_squeeze %dma_wait3A_287 : memref<1x!tpu.dma_semaphore, #tpu.memory_space<semaphore_mem>> -> memref<!tpu.dma_semaphore, #tpu.memory_space<semaphore_mem>>
      tpu.wait_indirect_dma semaphore(%dma_wait3A_288 : memref<!tpu.dma_semaphore, #tpu.memory_space<semaphore_mem>>) src(%dma_wait3A_286 : memref<100000x128xf32, #tpu.memory_space<hbm>>) dst(%dma_wait3A_280 : memref<128x128xf32, #tpu.memory_space<vmem>>)
      %add3A_289 = arith.constant 1 : i32
      %add3A_290 = arith.addi %add3A_11, %add3A_289 : i32
      %mul3A_291 = arith.constant 128 : i32
      %mul3A_292 = arith.muli %add3A_290, %mul3A_291 : i32
      %add3A_293 = arith.addi %mul3A_2, %mul3A_292 : i32
      %dma_start3A_294 = arith.constant 1 : i32
      %dma_start3A_295 = arith.constant 1 : i32
      %dma_start3A_296 = arith.constant 0 : i32
      %dma_start3A_297 = arith.constant 0 : i32
      %dma_start3A_298 = tpu.memref_slice %arg7[%dma_start3A_294, %dma_start3A_296, %dma_start3A_297] : memref<5x128x128xf32, #tpu.memory_space<vmem>> -> memref<1x128x128xf32, #tpu.memory_space<vmem>>
      %dma_start3A_299 = tpu.memref_squeeze %dma_start3A_298 : memref<1x128x128xf32, #tpu.memory_space<vmem>> -> memref<128x128xf32, #tpu.memory_space<vmem>>
      %dma_start3A_300 = arith.constant 0 : i32
      %dma_start3A_301 = tpu.memref_slice %arg5[%add3A_293, %dma_start3A_300] : memref<204800x128xf32, #tpu.memory_space<hbm>> -> memref<128x128xf32, #tpu.memory_space<hbm>>
      %dma_start3A_302 = tpu.memref_slice %arg10[%dma_start3A_295] : memref<5x!tpu.dma_semaphore, #tpu.memory_space<semaphore_mem>> -> memref<1x!tpu.dma_semaphore, #tpu.memory_space<semaphore_mem>>
      %dma_start3A_303 = tpu.memref_squeeze %dma_start3A_302 : memref<1x!tpu.dma_semaphore, #tpu.memory_space<semaphore_mem>> -> memref<!tpu.dma_semaphore, #tpu.memory_space<semaphore_mem>>
      %dma_start3A_304 = arith.constant 0 : i32
      %dma_start3A_305 = tpu.memref_slice %arg5[%add3A_293, %dma_start3A_304] : memref<204800x128xf32, #tpu.memory_space<hbm>> -> memref<128x128xf32, #tpu.memory_space<hbm>>
      %dma_start3A_306 = arith.constant 0 : i32
      %dma_start3A_307 = arith.constant 0 : i32
      %dma_start3A_308 = tpu.memref_slice %arg7[%dma_start3A_294, %dma_start3A_306, %dma_start3A_307] : memref<5x128x128xf32, #tpu.memory_space<vmem>> -> memref<1x128x128xf32, #tpu.memory_space<vmem>>
      %dma_start3A_309 = tpu.memref_squeeze %dma_start3A_308 : memref<1x128x128xf32, #tpu.memory_space<vmem>> -> memref<128x128xf32, #tpu.memory_space<vmem>>
      tpu.enqueue_dma source(%dma_start3A_309 : memref<128x128xf32, #tpu.memory_space<vmem>>) target(%dma_start3A_305 : memref<128x128xf32, #tpu.memory_space<hbm>>) target_semaphore(%dma_start3A_303 : memref<!tpu.dma_semaphore, #tpu.memory_space<semaphore_mem>>)
      %dma_wait3A_310 = arith.constant 2 : i32
      %dma_wait3A_311 = arith.constant 2 : i32
      %dma_wait3A_312 = arith.constant 0 : i32
      %dma_wait3A_313 = arith.constant 0 : i32
      %dma_wait3A_314 = tpu.memref_slice %arg7[%dma_wait3A_310, %dma_wait3A_312, %dma_wait3A_313] : memref<5x128x128xf32, #tpu.memory_space<vmem>> -> memref<1x128x128xf32, #tpu.memory_space<vmem>>
      %dma_wait3A_315 = tpu.memref_squeeze %dma_wait3A_314 : memref<1x128x128xf32, #tpu.memory_space<vmem>> -> memref<128x128xf32, #tpu.memory_space<vmem>>
      %dma_wait3A_316 = arith.constant 0 : i32
      %dma_wait3A_317 = tpu.memref_slice %arg6[%add3A_165, %dma_wait3A_316] : memref<50x128xi32, #tpu.memory_space<vmem>> -> memref<1x128xi32, #tpu.memory_space<vmem>>
      %dma_wait3A_318 = tpu.memref_squeeze %dma_wait3A_317 : memref<1x128xi32, #tpu.memory_space<vmem>> -> memref<128xi32, #tpu.memory_space<vmem>>
      %dma_wait3A_319 = arith.constant 0 : i32
      %dma_wait3A_320 = arith.constant 0 : i32
      %dma_wait3A_321 = tpu.memref_slice %arg4[%dma_wait3A_319, %dma_wait3A_320] : memref<100000x128xf32, #tpu.memory_space<hbm>> -> memref<100000x128xf32, #tpu.memory_space<hbm>>
      %dma_wait3A_322 = tpu.memref_slice %arg9[%dma_wait3A_311] : memref<5x!tpu.dma_semaphore, #tpu.memory_space<semaphore_mem>> -> memref<1x!tpu.dma_semaphore, #tpu.memory_space<semaphore_mem>>
      %dma_wait3A_323 = tpu.memref_squeeze %dma_wait3A_322 : memref<1x!tpu.dma_semaphore, #tpu.memory_space<semaphore_mem>> -> memref<!tpu.dma_semaphore, #tpu.memory_space<semaphore_mem>>
      tpu.wait_indirect_dma semaphore(%dma_wait3A_323 : memref<!tpu.dma_semaphore, #tpu.memory_space<semaphore_mem>>) src(%dma_wait3A_321 : memref<100000x128xf32, #tpu.memory_space<hbm>>) dst(%dma_wait3A_315 : memref<128x128xf32, #tpu.memory_space<vmem>>)
      %add3A_324 = arith.constant 2 : i32
      %add3A_325 = arith.addi %add3A_11, %add3A_324 : i32
      %mul3A_326 = arith.constant 128 : i32
      %mul3A_327 = arith.muli %add3A_325, %mul3A_326 : i32
      %add3A_328 = arith.addi %mul3A_2, %mul3A_327 : i32
      %dma_start3A_329 = arith.constant 2 : i32
      %dma_start3A_330 = arith.constant 2 : i32
      %dma_start3A_331 = arith.constant 0 : i32
      %dma_start3A_332 = arith.constant 0 : i32
      %dma_start3A_333 = tpu.memref_slice %arg7[%dma_start3A_329, %dma_start3A_331, %dma_start3A_332] : memref<5x128x128xf32, #tpu.memory_space<vmem>> -> memref<1x128x128xf32, #tpu.memory_space<vmem>>
      %dma_start3A_334 = tpu.memref_squeeze %dma_start3A_333 : memref<1x128x128xf32, #tpu.memory_space<vmem>> -> memref<128x128xf32, #tpu.memory_space<vmem>>
      %dma_start3A_335 = arith.constant 0 : i32
      %dma_start3A_336 = tpu.memref_slice %arg5[%add3A_328, %dma_start3A_335] : memref<204800x128xf32, #tpu.memory_space<hbm>> -> memref<128x128xf32, #tpu.memory_space<hbm>>
      %dma_start3A_337 = tpu.memref_slice %arg10[%dma_start3A_330] : memref<5x!tpu.dma_semaphore, #tpu.memory_space<semaphore_mem>> -> memref<1x!tpu.dma_semaphore, #tpu.memory_space<semaphore_mem>>
      %dma_start3A_338 = tpu.memref_squeeze %dma_start3A_337 : memref<1x!tpu.dma_semaphore, #tpu.memory_space<semaphore_mem>> -> memref<!tpu.dma_semaphore, #tpu.memory_space<semaphore_mem>>
      %dma_start3A_339 = arith.constant 0 : i32
      %dma_start3A_340 = tpu.memref_slice %arg5[%add3A_328, %dma_start3A_339] : memref<204800x128xf32, #tpu.memory_space<hbm>> -> memref<128x128xf32, #tpu.memory_space<hbm>>
      %dma_start3A_341 = arith.constant 0 : i32
      %dma_start3A_342 = arith.constant 0 : i32
      %dma_start3A_343 = tpu.memref_slice %arg7[%dma_start3A_329, %dma_start3A_341, %dma_start3A_342] : memref<5x128x128xf32, #tpu.memory_space<vmem>> -> memref<1x128x128xf32, #tpu.memory_space<vmem>>
      %dma_start3A_344 = tpu.memref_squeeze %dma_start3A_343 : memref<1x128x128xf32, #tpu.memory_space<vmem>> -> memref<128x128xf32, #tpu.memory_space<vmem>>
      tpu.enqueue_dma source(%dma_start3A_344 : memref<128x128xf32, #tpu.memory_space<vmem>>) target(%dma_start3A_340 : memref<128x128xf32, #tpu.memory_space<hbm>>) target_semaphore(%dma_start3A_338 : memref<!tpu.dma_semaphore, #tpu.memory_space<semaphore_mem>>)
      %dma_wait3A_345 = arith.constant 3 : i32
      %dma_wait3A_346 = arith.constant 3 : i32
      %dma_wait3A_347 = arith.constant 0 : i32
      %dma_wait3A_348 = arith.constant 0 : i32
      %dma_wait3A_349 = tpu.memref_slice %arg7[%dma_wait3A_345, %dma_wait3A_347, %dma_wait3A_348] : memref<5x128x128xf32, #tpu.memory_space<vmem>> -> memref<1x128x128xf32, #tpu.memory_space<vmem>>
      %dma_wait3A_350 = tpu.memref_squeeze %dma_wait3A_349 : memref<1x128x128xf32, #tpu.memory_space<vmem>> -> memref<128x128xf32, #tpu.memory_space<vmem>>
      %dma_wait3A_351 = arith.constant 0 : i32
      %dma_wait3A_352 = tpu.memref_slice %arg6[%add3A_195, %dma_wait3A_351] : memref<50x128xi32, #tpu.memory_space<vmem>> -> memref<1x128xi32, #tpu.memory_space<vmem>>
      %dma_wait3A_353 = tpu.memref_squeeze %dma_wait3A_352 : memref<1x128xi32, #tpu.memory_space<vmem>> -> memref<128xi32, #tpu.memory_space<vmem>>
      %dma_wait3A_354 = arith.constant 0 : i32
      %dma_wait3A_355 = arith.constant 0 : i32
      %dma_wait3A_356 = tpu.memref_slice %arg4[%dma_wait3A_354, %dma_wait3A_355] : memref<100000x128xf32, #tpu.memory_space<hbm>> -> memref<100000x128xf32, #tpu.memory_space<hbm>>
      %dma_wait3A_357 = tpu.memref_slice %arg9[%dma_wait3A_346] : memref<5x!tpu.dma_semaphore, #tpu.memory_space<semaphore_mem>> -> memref<1x!tpu.dma_semaphore, #tpu.memory_space<semaphore_mem>>
      %dma_wait3A_358 = tpu.memref_squeeze %dma_wait3A_357 : memref<1x!tpu.dma_semaphore, #tpu.memory_space<semaphore_mem>> -> memref<!tpu.dma_semaphore, #tpu.memory_space<semaphore_mem>>
      tpu.wait_indirect_dma semaphore(%dma_wait3A_358 : memref<!tpu.dma_semaphore, #tpu.memory_space<semaphore_mem>>) src(%dma_wait3A_356 : memref<100000x128xf32, #tpu.memory_space<hbm>>) dst(%dma_wait3A_350 : memref<128x128xf32, #tpu.memory_space<vmem>>)
      %add3A_359 = arith.constant 3 : i32
      %add3A_360 = arith.addi %add3A_11, %add3A_359 : i32
      %mul3A_361 = arith.constant 128 : i32
      %mul3A_362 = arith.muli %add3A_360, %mul3A_361 : i32
      %add3A_363 = arith.addi %mul3A_2, %mul3A_362 : i32
      %dma_start3A_364 = arith.constant 3 : i32
      %dma_start3A_365 = arith.constant 3 : i32
      %dma_start3A_366 = arith.constant 0 : i32
      %dma_start3A_367 = arith.constant 0 : i32
      %dma_start3A_368 = tpu.memref_slice %arg7[%dma_start3A_364, %dma_start3A_366, %dma_start3A_367] : memref<5x128x128xf32, #tpu.memory_space<vmem>> -> memref<1x128x128xf32, #tpu.memory_space<vmem>>
      %dma_start3A_369 = tpu.memref_squeeze %dma_start3A_368 : memref<1x128x128xf32, #tpu.memory_space<vmem>> -> memref<128x128xf32, #tpu.memory_space<vmem>>
      %dma_start3A_370 = arith.constant 0 : i32
      %dma_start3A_371 = tpu.memref_slice %arg5[%add3A_363, %dma_start3A_370] : memref<204800x128xf32, #tpu.memory_space<hbm>> -> memref<128x128xf32, #tpu.memory_space<hbm>>
      %dma_start3A_372 = tpu.memref_slice %arg10[%dma_start3A_365] : memref<5x!tpu.dma_semaphore, #tpu.memory_space<semaphore_mem>> -> memref<1x!tpu.dma_semaphore, #tpu.memory_space<semaphore_mem>>
      %dma_start3A_373 = tpu.memref_squeeze %dma_start3A_372 : memref<1x!tpu.dma_semaphore, #tpu.memory_space<semaphore_mem>> -> memref<!tpu.dma_semaphore, #tpu.memory_space<semaphore_mem>>
      %dma_start3A_374 = arith.constant 0 : i32
      %dma_start3A_375 = tpu.memref_slice %arg5[%add3A_363, %dma_start3A_374] : memref<204800x128xf32, #tpu.memory_space<hbm>> -> memref<128x128xf32, #tpu.memory_space<hbm>>
      %dma_start3A_376 = arith.constant 0 : i32
      %dma_start3A_377 = arith.constant 0 : i32
      %dma_start3A_378 = tpu.memref_slice %arg7[%dma_start3A_364, %dma_start3A_376, %dma_start3A_377] : memref<5x128x128xf32, #tpu.memory_space<vmem>> -> memref<1x128x128xf32, #tpu.memory_space<vmem>>
      %dma_start3A_379 = tpu.memref_squeeze %dma_start3A_378 : memref<1x128x128xf32, #tpu.memory_space<vmem>> -> memref<128x128xf32, #tpu.memory_space<vmem>>
      tpu.enqueue_dma source(%dma_start3A_379 : memref<128x128xf32, #tpu.memory_space<vmem>>) target(%dma_start3A_375 : memref<128x128xf32, #tpu.memory_space<hbm>>) target_semaphore(%dma_start3A_373 : memref<!tpu.dma_semaphore, #tpu.memory_space<semaphore_mem>>)
      %dma_wait3A_380 = arith.constant 4 : i32
      %dma_wait3A_381 = arith.constant 4 : i32
      %dma_wait3A_382 = arith.constant 0 : i32
      %dma_wait3A_383 = arith.constant 0 : i32
      %dma_wait3A_384 = tpu.memref_slice %arg7[%dma_wait3A_380, %dma_wait3A_382, %dma_wait3A_383] : memref<5x128x128xf32, #tpu.memory_space<vmem>> -> memref<1x128x128xf32, #tpu.memory_space<vmem>>
      %dma_wait3A_385 = tpu.memref_squeeze %dma_wait3A_384 : memref<1x128x128xf32, #tpu.memory_space<vmem>> -> memref<128x128xf32, #tpu.memory_space<vmem>>
      %dma_wait3A_386 = arith.constant 0 : i32
      %dma_wait3A_387 = tpu.memref_slice %arg6[%add3A_225, %dma_wait3A_386] : memref<50x128xi32, #tpu.memory_space<vmem>> -> memref<1x128xi32, #tpu.memory_space<vmem>>
      %dma_wait3A_388 = tpu.memref_squeeze %dma_wait3A_387 : memref<1x128xi32, #tpu.memory_space<vmem>> -> memref<128xi32, #tpu.memory_space<vmem>>
      %dma_wait3A_389 = arith.constant 0 : i32
      %dma_wait3A_390 = arith.constant 0 : i32
      %dma_wait3A_391 = tpu.memref_slice %arg4[%dma_wait3A_389, %dma_wait3A_390] : memref<100000x128xf32, #tpu.memory_space<hbm>> -> memref<100000x128xf32, #tpu.memory_space<hbm>>
      %dma_wait3A_392 = tpu.memref_slice %arg9[%dma_wait3A_381] : memref<5x!tpu.dma_semaphore, #tpu.memory_space<semaphore_mem>> -> memref<1x!tpu.dma_semaphore, #tpu.memory_space<semaphore_mem>>
      %dma_wait3A_393 = tpu.memref_squeeze %dma_wait3A_392 : memref<1x!tpu.dma_semaphore, #tpu.memory_space<semaphore_mem>> -> memref<!tpu.dma_semaphore, #tpu.memory_space<semaphore_mem>>
      tpu.wait_indirect_dma semaphore(%dma_wait3A_393 : memref<!tpu.dma_semaphore, #tpu.memory_space<semaphore_mem>>) src(%dma_wait3A_391 : memref<100000x128xf32, #tpu.memory_space<hbm>>) dst(%dma_wait3A_385 : memref<128x128xf32, #tpu.memory_space<vmem>>)
      %add3A_394 = arith.constant 4 : i32
      %add3A_395 = arith.addi %add3A_11, %add3A_394 : i32
      %mul3A_396 = arith.constant 128 : i32
      %mul3A_397 = arith.muli %add3A_395, %mul3A_396 : i32
      %add3A_398 = arith.addi %mul3A_2, %mul3A_397 : i32
      %dma_start3A_399 = arith.constant 4 : i32
      %dma_start3A_400 = arith.constant 4 : i32
      %dma_start3A_401 = arith.constant 0 : i32
      %dma_start3A_402 = arith.constant 0 : i32
      %dma_start3A_403 = tpu.memref_slice %arg7[%dma_start3A_399, %dma_start3A_401, %dma_start3A_402] : memref<5x128x128xf32, #tpu.memory_space<vmem>> -> memref<1x128x128xf32, #tpu.memory_space<vmem>>
      %dma_start3A_404 = tpu.memref_squeeze %dma_start3A_403 : memref<1x128x128xf32, #tpu.memory_space<vmem>> -> memref<128x128xf32, #tpu.memory_space<vmem>>
      %dma_start3A_405 = arith.constant 0 : i32
      %dma_start3A_406 = tpu.memref_slice %arg5[%add3A_398, %dma_start3A_405] : memref<204800x128xf32, #tpu.memory_space<hbm>> -> memref<128x128xf32, #tpu.memory_space<hbm>>
      %dma_start3A_407 = tpu.memref_slice %arg10[%dma_start3A_400] : memref<5x!tpu.dma_semaphore, #tpu.memory_space<semaphore_mem>> -> memref<1x!tpu.dma_semaphore, #tpu.memory_space<semaphore_mem>>
      %dma_start3A_408 = tpu.memref_squeeze %dma_start3A_407 : memref<1x!tpu.dma_semaphore, #tpu.memory_space<semaphore_mem>> -> memref<!tpu.dma_semaphore, #tpu.memory_space<semaphore_mem>>
      %dma_start3A_409 = arith.constant 0 : i32
      %dma_start3A_410 = tpu.memref_slice %arg5[%add3A_398, %dma_start3A_409] : memref<204800x128xf32, #tpu.memory_space<hbm>> -> memref<128x128xf32, #tpu.memory_space<hbm>>
      %dma_start3A_411 = arith.constant 0 : i32
      %dma_start3A_412 = arith.constant 0 : i32
      %dma_start3A_413 = tpu.memref_slice %arg7[%dma_start3A_399, %dma_start3A_411, %dma_start3A_412] : memref<5x128x128xf32, #tpu.memory_space<vmem>> -> memref<1x128x128xf32, #tpu.memory_space<vmem>>
      %dma_start3A_414 = tpu.memref_squeeze %dma_start3A_413 : memref<1x128x128xf32, #tpu.memory_space<vmem>> -> memref<128x128xf32, #tpu.memory_space<vmem>>
      tpu.enqueue_dma source(%dma_start3A_414 : memref<128x128xf32, #tpu.memory_space<vmem>>) target(%dma_start3A_410 : memref<128x128xf32, #tpu.memory_space<hbm>>) target_semaphore(%dma_start3A_408 : memref<!tpu.dma_semaphore, #tpu.memory_space<semaphore_mem>>)
      %dma_wait3A_415 = arith.constant 0 : i32
      %dma_wait3A_416 = arith.constant 0 : i32
      %dma_wait3A_417 = arith.constant 0 : i32
      %dma_wait3A_418 = arith.constant 0 : i32
      %dma_wait3A_419 = tpu.memref_slice %arg7[%dma_wait3A_415, %dma_wait3A_417, %dma_wait3A_418] : memref<5x128x128xf32, #tpu.memory_space<vmem>> -> memref<1x128x128xf32, #tpu.memory_space<vmem>>
      %dma_wait3A_420 = tpu.memref_squeeze %dma_wait3A_419 : memref<1x128x128xf32, #tpu.memory_space<vmem>> -> memref<128x128xf32, #tpu.memory_space<vmem>>
      %dma_wait3A_421 = arith.constant 0 : i32
      %dma_wait3A_422 = tpu.memref_slice %arg5[%add3A_258, %dma_wait3A_421] : memref<204800x128xf32, #tpu.memory_space<hbm>> -> memref<128x128xf32, #tpu.memory_space<hbm>>
      %dma_wait3A_423 = tpu.memref_slice %arg10[%dma_wait3A_416] : memref<5x!tpu.dma_semaphore, #tpu.memory_space<semaphore_mem>> -> memref<1x!tpu.dma_semaphore, #tpu.memory_space<semaphore_mem>>
      %dma_wait3A_424 = tpu.memref_squeeze %dma_wait3A_423 : memref<1x!tpu.dma_semaphore, #tpu.memory_space<semaphore_mem>> -> memref<!tpu.dma_semaphore, #tpu.memory_space<semaphore_mem>>
      %dma_wait3A_425 = arith.constant 0 : i32
      %dma_wait3A_426 = tpu.memref_slice %arg5[%add3A_258, %dma_wait3A_425] : memref<204800x128xf32, #tpu.memory_space<hbm>> -> memref<128x128xf32, #tpu.memory_space<hbm>>
      %dma_wait3A_427 = arith.constant 0 : i32
      %dma_wait3A_428 = arith.constant 0 : i32
      %dma_wait3A_429 = tpu.memref_slice %arg7[%dma_wait3A_415, %dma_wait3A_427, %dma_wait3A_428] : memref<5x128x128xf32, #tpu.memory_space<vmem>> -> memref<1x128x128xf32, #tpu.memory_space<vmem>>
      %dma_wait3A_430 = tpu.memref_squeeze %dma_wait3A_429 : memref<1x128x128xf32, #tpu.memory_space<vmem>> -> memref<128x128xf32, #tpu.memory_space<vmem>>
      tpu.wait_dma2 semaphore(%dma_wait3A_424 : memref<!tpu.dma_semaphore, #tpu.memory_space<semaphore_mem>>) src(%dma_wait3A_430 : memref<128x128xf32, #tpu.memory_space<vmem>>) dst(%dma_wait3A_426 : memref<128x128xf32, #tpu.memory_space<hbm>>)
      %dma_wait3A_431 = arith.constant 1 : i32
      %dma_wait3A_432 = arith.constant 1 : i32
      %dma_wait3A_433 = arith.constant 0 : i32
      %dma_wait3A_434 = arith.constant 0 : i32
      %dma_wait3A_435 = tpu.memref_slice %arg7[%dma_wait3A_431, %dma_wait3A_433, %dma_wait3A_434] : memref<5x128x128xf32, #tpu.memory_space<vmem>> -> memref<1x128x128xf32, #tpu.memory_space<vmem>>
      %dma_wait3A_436 = tpu.memref_squeeze %dma_wait3A_435 : memref<1x128x128xf32, #tpu.memory_space<vmem>> -> memref<128x128xf32, #tpu.memory_space<vmem>>
      %dma_wait3A_437 = arith.constant 0 : i32
      %dma_wait3A_438 = tpu.memref_slice %arg5[%add3A_293, %dma_wait3A_437] : memref<204800x128xf32, #tpu.memory_space<hbm>> -> memref<128x128xf32, #tpu.memory_space<hbm>>
      %dma_wait3A_439 = tpu.memref_slice %arg10[%dma_wait3A_432] : memref<5x!tpu.dma_semaphore, #tpu.memory_space<semaphore_mem>> -> memref<1x!tpu.dma_semaphore, #tpu.memory_space<semaphore_mem>>
      %dma_wait3A_440 = tpu.memref_squeeze %dma_wait3A_439 : memref<1x!tpu.dma_semaphore, #tpu.memory_space<semaphore_mem>> -> memref<!tpu.dma_semaphore, #tpu.memory_space<semaphore_mem>>
      %dma_wait3A_441 = arith.constant 0 : i32
      %dma_wait3A_442 = tpu.memref_slice %arg5[%add3A_293, %dma_wait3A_441] : memref<204800x128xf32, #tpu.memory_space<hbm>> -> memref<128x128xf32, #tpu.memory_space<hbm>>
      %dma_wait3A_443 = arith.constant 0 : i32
      %dma_wait3A_444 = arith.constant 0 : i32
      %dma_wait3A_445 = tpu.memref_slice %arg7[%dma_wait3A_431, %dma_wait3A_443, %dma_wait3A_444] : memref<5x128x128xf32, #tpu.memory_space<vmem>> -> memref<1x128x128xf32, #tpu.memory_space<vmem>>
      %dma_wait3A_446 = tpu.memref_squeeze %dma_wait3A_445 : memref<1x128x128xf32, #tpu.memory_space<vmem>> -> memref<128x128xf32, #tpu.memory_space<vmem>>
      tpu.wait_dma2 semaphore(%dma_wait3A_440 : memref<!tpu.dma_semaphore, #tpu.memory_space<semaphore_mem>>) src(%dma_wait3A_446 : memref<128x128xf32, #tpu.memory_space<vmem>>) dst(%dma_wait3A_442 : memref<128x128xf32, #tpu.memory_space<hbm>>)
      %dma_wait3A_447 = arith.constant 2 : i32
      %dma_wait3A_448 = arith.constant 2 : i32
      %dma_wait3A_449 = arith.constant 0 : i32
      %dma_wait3A_450 = arith.constant 0 : i32
      %dma_wait3A_451 = tpu.memref_slice %arg7[%dma_wait3A_447, %dma_wait3A_449, %dma_wait3A_450] : memref<5x128x128xf32, #tpu.memory_space<vmem>> -> memref<1x128x128xf32, #tpu.memory_space<vmem>>
      %dma_wait3A_452 = tpu.memref_squeeze %dma_wait3A_451 : memref<1x128x128xf32, #tpu.memory_space<vmem>> -> memref<128x128xf32, #tpu.memory_space<vmem>>
      %dma_wait3A_453 = arith.constant 0 : i32
      %dma_wait3A_454 = tpu.memref_slice %arg5[%add3A_328, %dma_wait3A_453] : memref<204800x128xf32, #tpu.memory_space<hbm>> -> memref<128x128xf32, #tpu.memory_space<hbm>>
      %dma_wait3A_455 = tpu.memref_slice %arg10[%dma_wait3A_448] : memref<5x!tpu.dma_semaphore, #tpu.memory_space<semaphore_mem>> -> memref<1x!tpu.dma_semaphore, #tpu.memory_space<semaphore_mem>>
      %dma_wait3A_456 = tpu.memref_squeeze %dma_wait3A_455 : memref<1x!tpu.dma_semaphore, #tpu.memory_space<semaphore_mem>> -> memref<!tpu.dma_semaphore, #tpu.memory_space<semaphore_mem>>
      %dma_wait3A_457 = arith.constant 0 : i32
      %dma_wait3A_458 = tpu.memref_slice %arg5[%add3A_328, %dma_wait3A_457] : memref<204800x128xf32, #tpu.memory_space<hbm>> -> memref<128x128xf32, #tpu.memory_space<hbm>>
      %dma_wait3A_459 = arith.constant 0 : i32
      %dma_wait3A_460 = arith.constant 0 : i32
      %dma_wait3A_461 = tpu.memref_slice %arg7[%dma_wait3A_447, %dma_wait3A_459, %dma_wait3A_460] : memref<5x128x128xf32, #tpu.memory_space<vmem>> -> memref<1x128x128xf32, #tpu.memory_space<vmem>>
      %dma_wait3A_462 = tpu.memref_squeeze %dma_wait3A_461 : memref<1x128x128xf32, #tpu.memory_space<vmem>> -> memref<128x128xf32, #tpu.memory_space<vmem>>
      tpu.wait_dma2 semaphore(%dma_wait3A_456 : memref<!tpu.dma_semaphore, #tpu.memory_space<semaphore_mem>>) src(%dma_wait3A_462 : memref<128x128xf32, #tpu.memory_space<vmem>>) dst(%dma_wait3A_458 : memref<128x128xf32, #tpu.memory_space<hbm>>)
      %dma_wait3A_463 = arith.constant 3 : i32
      %dma_wait3A_464 = arith.constant 3 : i32
      %dma_wait3A_465 = arith.constant 0 : i32
      %dma_wait3A_466 = arith.constant 0 : i32
      %dma_wait3A_467 = tpu.memref_slice %arg7[%dma_wait3A_463, %dma_wait3A_465, %dma_wait3A_466] : memref<5x128x128xf32, #tpu.memory_space<vmem>> -> memref<1x128x128xf32, #tpu.memory_space<vmem>>
      %dma_wait3A_468 = tpu.memref_squeeze %dma_wait3A_467 : memref<1x128x128xf32, #tpu.memory_space<vmem>> -> memref<128x128xf32, #tpu.memory_space<vmem>>
      %dma_wait3A_469 = arith.constant 0 : i32
      %dma_wait3A_470 = tpu.memref_slice %arg5[%add3A_363, %dma_wait3A_469] : memref<204800x128xf32, #tpu.memory_space<hbm>> -> memref<128x128xf32, #tpu.memory_space<hbm>>
      %dma_wait3A_471 = tpu.memref_slice %arg10[%dma_wait3A_464] : memref<5x!tpu.dma_semaphore, #tpu.memory_space<semaphore_mem>> -> memref<1x!tpu.dma_semaphore, #tpu.memory_space<semaphore_mem>>
      %dma_wait3A_472 = tpu.memref_squeeze %dma_wait3A_471 : memref<1x!tpu.dma_semaphore, #tpu.memory_space<semaphore_mem>> -> memref<!tpu.dma_semaphore, #tpu.memory_space<semaphore_mem>>
      %dma_wait3A_473 = arith.constant 0 : i32
      %dma_wait3A_474 = tpu.memref_slice %arg5[%add3A_363, %dma_wait3A_473] : memref<204800x128xf32, #tpu.memory_space<hbm>> -> memref<128x128xf32, #tpu.memory_space<hbm>>
      %dma_wait3A_475 = arith.constant 0 : i32
      %dma_wait3A_476 = arith.constant 0 : i32
      %dma_wait3A_477 = tpu.memref_slice %arg7[%dma_wait3A_463, %dma_wait3A_475, %dma_wait3A_476] : memref<5x128x128xf32, #tpu.memory_space<vmem>> -> memref<1x128x128xf32, #tpu.memory_space<vmem>>
      %dma_wait3A_478 = tpu.memref_squeeze %dma_wait3A_477 : memref<1x128x128xf32, #tpu.memory_space<vmem>> -> memref<128x128xf32, #tpu.memory_space<vmem>>
      tpu.wait_dma2 semaphore(%dma_wait3A_472 : memref<!tpu.dma_semaphore, #tpu.memory_space<semaphore_mem>>) src(%dma_wait3A_478 : memref<128x128xf32, #tpu.memory_space<vmem>>) dst(%dma_wait3A_474 : memref<128x128xf32, #tpu.memory_space<hbm>>)
      %dma_wait3A_479 = arith.constant 4 : i32
      %dma_wait3A_480 = arith.constant 4 : i32
      %dma_wait3A_481 = arith.constant 0 : i32
      %dma_wait3A_482 = arith.constant 0 : i32
      %dma_wait3A_483 = tpu.memref_slice %arg7[%dma_wait3A_479, %dma_wait3A_481, %dma_wait3A_482] : memref<5x128x128xf32, #tpu.memory_space<vmem>> -> memref<1x128x128xf32, #tpu.memory_space<vmem>>
      %dma_wait3A_484 = tpu.memref_squeeze %dma_wait3A_483 : memref<1x128x128xf32, #tpu.memory_space<vmem>> -> memref<128x128xf32, #tpu.memory_space<vmem>>
      %dma_wait3A_485 = arith.constant 0 : i32
      %dma_wait3A_486 = tpu.memref_slice %arg5[%add3A_398, %dma_wait3A_485] : memref<204800x128xf32, #tpu.memory_space<hbm>> -> memref<128x128xf32, #tpu.memory_space<hbm>>
      %dma_wait3A_487 = tpu.memref_slice %arg10[%dma_wait3A_480] : memref<5x!tpu.dma_semaphore, #tpu.memory_space<semaphore_mem>> -> memref<1x!tpu.dma_semaphore, #tpu.memory_space<semaphore_mem>>
      %dma_wait3A_488 = tpu.memref_squeeze %dma_wait3A_487 : memref<1x!tpu.dma_semaphore, #tpu.memory_space<semaphore_mem>> -> memref<!tpu.dma_semaphore, #tpu.memory_space<semaphore_mem>>
      %dma_wait3A_489 = arith.constant 0 : i32
      %dma_wait3A_490 = tpu.memref_slice %arg5[%add3A_398, %dma_wait3A_489] : memref<204800x128xf32, #tpu.memory_space<hbm>> -> memref<128x128xf32, #tpu.memory_space<hbm>>
      %dma_wait3A_491 = arith.constant 0 : i32
      %dma_wait3A_492 = arith.constant 0 : i32
      %dma_wait3A_493 = tpu.memref_slice %arg7[%dma_wait3A_479, %dma_wait3A_491, %dma_wait3A_492] : memref<5x128x128xf32, #tpu.memory_space<vmem>> -> memref<1x128x128xf32, #tpu.memory_space<vmem>>
      %dma_wait3A_494 = tpu.memref_squeeze %dma_wait3A_493 : memref<1x128x128xf32, #tpu.memory_space<vmem>> -> memref<128x128xf32, #tpu.memory_space<vmem>>
      tpu.wait_dma2 semaphore(%dma_wait3A_488 : memref<!tpu.dma_semaphore, #tpu.memory_space<semaphore_mem>>) src(%dma_wait3A_494 : memref<128x128xf32, #tpu.memory_space<vmem>>) dst(%dma_wait3A_490 : memref<128x128xf32, #tpu.memory_space<hbm>>)
    }
    %scan3A_6 = arith.constant 10 : i32
    return
  }
}

</mosaic_0001>

<sc_bundles>
// kernel: kernel.3.cloned.1.call-start
scs
__scs_entry_jumppad:
0x0: {  	(pc) =	sbr.rel $0x88, $3  }
0x1: {  	(tag) =	ssettag $0x0;
	lr =	simm.s32 $0x1  }
0x2: {  	[smem:$0x3F9E] =	sst lr;
	_ =	strace $0xD0000000  }
0x3: {  	_ = 	snop  }
0x4: {  	_ = 	snop  }
0x5: {  	_ = 	snop  }
0x6: {  	_ = 	snop  }
0x7: {  	_ = 	snop  }
__scs_overlays_trampoline_lowered:
0x8: {  	[smem:$0x3FAD] =	sst s0  }
0x9: {  	[smem:$0x3FAE] =	sst s1  }
0xa: {  	[smem:$0x3FAF] =	sst s2  }
0xb: {  	[smem:$0x3FB0] =	sst s3  }
0xc: {  	[smem:$0x3FB1] =	sst s4  }
0xd: {  	[smem:$0x3FB2] =	sst s5  }
0xe: {  	[smem:$0x3FB3] =	sst s6  }
0xf: {  	[smem:$0x3FB4] =	sst s7  }
0x10: {  	[smem:$0x3FB5] =	sst s8  }
0x11: {  	[smem:$0x3FB6] =	sst s9;
	s0 =	simm.s32 @!p0 $0x0  }
0x12: {  	s1 =	sld [smem:$0x3F9C];
	s0 =	simm.s32 @p0 $0x1  }
0x13: {  	[smem:$0x3FB7] =	sst s0;
	s0 =	simm.s32 @!p1 $0x0  }
0x14: {  	s2 =	sld [smem:$0x3F9B];
	s0 =	simm.s32 @p1 $0x1  }
0x15: {  	[smem:$0x3FB8] =	sst s0;
	s0 =	simm.s32 @!p2 $0x0  }
0x16: {  	s3 =	sld [smem:$0x3FDB];
	s0 =	simm.s32 @p2 $0x1  }
0x17: {  	s4 =	simm.s32 $0x1BF5;
	[smem:$0x3FBA] =	sst s0  }
0x18: {  	s0 =	sld [smem:$0x3F9D];
	_ =	swait.ge [sflag:s4], $0x0  }
0x19: {  	s7 =	sld [smem:$0x3F9E]  }
0x1a: {  	s8 =	sadd.s32 $0xFFFFE003, lr  }
0x1b: {  	s9 =	sadd.s32 $0xFFFFFEF7, lr;
	s5 =	simm.s32 $0xFFFFFFFF;
	p2 =	slt.u32 s8, $0xFFFFF086  }
0x1c: {  	p1 =	slt.u32 s9, $0xF7A;
	s5 =	simm.s32 @!p2 $0x0  }
0x1d: {  	s5 =	simm.s32 @p1 $0x1;
	p0 =	seq.s32 s7, s2  }
0x1e: {  	s7 =	smul.u32 @!p0 $0xF7A, s2;
	p2 =	seq.s32 @!p0 s5, $0x0  }
0x1f: {  	s9 =	smul.u32 $0xF7A, s1;
	s8 =	simm.s32 @!p0 $0x1BF5;
	p2 =	por !p2, p0  }
0x20: {  	[sflag:s8] =	ssyncset.s32 @!p0 $0xFFFFF086;
	s6 =	sadd.s32 @!p0 s3, s7;
	s7 =	simm.s32 @!p0 $0x108  }
0x21: {  	s3 =	sadd.s32 s3, s9;
	s6 =	sadd.s32 @!p0 $0x88, s6;
	s7 =	simm.s32 @p2 $0x1082  }
0x22: {  	[simem:s7], [sflag:s8] =	dma.local @!p0 [hbm:s6], $0xF7A  }
0x23: {  	s9 =	sor.u32 $0xD0000000, s2;
	s6 =	simm.s32 $0x108;
	_ =	swait.ge @!p0 [sflag:s8], $0x0  }
0x24: {  	s3 =	sadd.s32 $0x88, s3;
	s6 =	simm.s32 @!p1 $0x1082;
	[sflag:s4] =	ssyncset.s32 $0xFFFFF086  }
0x25: {  	[simem:s6], [sflag:s4] =	dma.local [hbm:s3], $0xF7A  }
0x26: {  	[smem:$0x3F9E] =	sst s1;
	(tag) =	ssettag s2;
	_ =	strace s9  }
0x27: {  	s1 =	sld [smem:$0x3FAE]  }
0x28: {  	s2 =	sld [smem:$0x3FAF]  }
0x29: {  	s4 =	sld [smem:$0x3FB1]  }
0x2a: {  	p0 =	seq.s32 s5, $0x0;
	s5 =	sld [smem:$0x3FB2]  }
0x2b: {  	s6 =	sld [smem:$0x3FB3]  }
0x2c: {  	s7 =	sld [smem:$0x3FB4]  }
0x2d: {  	s3 =	simm.s32 $0x108;
	s8 =	sld [smem:$0x3FB5]  }
0x2e: {  	s3 =	simm.s32 @!p0 $0x1082;
	s9 =	sld [smem:$0x3FB6]  }
0x2f: {  	lr =	sadd.s32 s0, s3;
	s0 =	sld [smem:$0x3FAD]  }
0x30: {  	s3 =	sld [smem:$0x3FB0]  }
0x31: {  	[smem:$0x3FB9] =	sst s10  }
0x32: {  	s10 =	sld [smem:$0x3FB7];
	_ =	sdelay $0x3  }
0x33: {  	p0 =	seq.s32 s10, $0x1;
	s10 =	sld [smem:$0x3FB9];
	_ =	sdelay $0x3  }
0x34: {  	[smem:$0x3FB9] =	sst s10  }
0x35: {  	s10 =	sld [smem:$0x3FB8];
	_ =	sdelay $0x3  }
0x36: {  	p1 =	seq.s32 s10, $0x1;
	s10 =	sld [smem:$0x3FB9];
	_ =	sdelay $0x3  }
0x37: {  	[smem:$0x3FB9] =	sst s10  }
0x38: {  	s10 =	sld [smem:$0x3FBA]  }
0x39: {  	_ = 	snop;
	(pc) =	sbr.ind lr, $3  }
0x3a: {  	_ = 	snop  }
0x3b: {  	_ = 	snop  }
0x3c: {  	p2 =	seq.s32 s10, $0x1;
	s10 =	sld [smem:$0x3FB9]  }
0x3d: {  	_ =	shalt  }
0x3e: {  	_ =	shalt  }
0x3f: {  	_ =	shalt  }
0x40: {  	_ =	shalt  }
0x41: {  	_ =	shalt  }
0x42: {  	_ =	shalt  }
0x43: {  	_ =	shalt  }
0x44: {  	_ =	shalt  }
0x45: {  	_ =	shalt  }
0x46: {  	_ =	shalt  }
0x47: {  	_ =	shalt  }
0x48: {  	_ =	shalt  }
0x49: {  	_ =	shalt  }
0x4a: {  	_ =	shalt  }
0x4b: {  	_ =	shalt  }
0x4c: {  	_ =	shalt  }
0x4d: {  	_ =	shalt  }
0x4e: {  	_ =	shalt  }
0x4f: {  	_ =	shalt  }
0x50: {  	_ =	shalt  }
0x51: {  	_ =	shalt  }
0x52: {  	_ =	shalt  }
0x53: {  	_ =	shalt  }
0x54: {  	_ =	shalt  }
0x55: {  	_ =	shalt  }
0x56: {  	_ =	shalt  }
0x57: {  	_ =	shalt  }
0x58: {  	_ =	shalt  }
0x59: {  	_ =	shalt  }
0x5a: {  	_ =	shalt  }
0x5b: {  	_ =	shalt  }
0x5c: {  	_ =	shalt  }
0x5d: {  	_ =	shalt  }
0x5e: {  	_ =	shalt  }
0x5f: {  	_ =	shalt  }
0x60: {  	_ =	shalt  }
0x61: {  	_ =	shalt  }
0x62: {  	_ =	shalt  }
0x63: {  	_ =	shalt  }
0x64: {  	_ =	shalt  }
0x65: {  	_ =	shalt  }
0x66: {  	_ =	shalt  }
0x67: {  	_ =	shalt  }
0x68: {  	_ =	shalt  }
0x69: {  	_ =	shalt  }
0x6a: {  	_ =	shalt  }
0x6b: {  	_ =	shalt  }
0x6c: {  	_ =	shalt  }
0x6d: {  	_ =	shalt  }
0x6e: {  	_ =	shalt  }
0x6f: {  	_ =	shalt  }
0x70: {  	_ =	shalt  }
0x71: {  	_ =	shalt  }
0x72: {  	_ =	shalt  }
0x73: {  	_ =	shalt  }
0x74: {  	_ =	shalt  }
0x75: {  	_ =	shalt  }
0x76: {  	_ =	shalt  }
0x77: {  	_ =	shalt  }
0x78: {  	_ =	shalt  }
0x79: {  	_ =	shalt  }
0x7a: {  	_ =	shalt  }
0x7b: {  	_ =	shalt  }
0x7c: {  	_ =	shalt  }
0x7d: {  	_ =	shalt  }
0x7e: {  	_ =	shalt  }
0x7f: {  	_ =	shalt  }
0x80: {  	_ =	shalt  }
0x81: {  	_ =	shalt  }
0x82: {  	_ =	shalt  }
0x83: {  	_ =	shalt  }
0x84: {  	_ =	shalt  }
0x85: {  	_ =	shalt  }
0x86: {  	_ =	shalt  }
0x87: {  	_ =	shalt  }
.Lfunc_end0:
.L_simem_size_0:
called_computation.1_lowered:
.L_overlay_start_0:
0x88: {  	s2 =	sld [smem:$0x3FD9]  }
0x89: {  	s3 =	sld [smem:$0x3FFE];
	_ =	sdelay $0x1  }
0x8a: {  	s1 =	srdreg.scid  }
0x8b: {  	s0 =	sand.u32 $0x1, s1  }
0x8c: {  	s17 =	sshll.u32 s0, $0xA;
	s2 =	sadd.s32 s3, s2  }
0x8d: {  	s2 =	sadd.s32 s2, s17  }
0x8e: {  	[smem:$0x3FC5] =	sst s2  }
0x8f: {  	_ = 	snop  }
0x90: {  	s2 =	sld [smem:$0x3FC8]  }
0x91: {  	s18 =	sld [smem:$0x3FC7]  }
0x92: {  	s4 =	sld [smem:$0x3FD0];
	(tm) =	ssettm $0x1  }
0x93: {  	s5 =	sld [smem:$0x3FFB];
	_ =	sdelay $0x3  }
0x94: {  	_ =	strace s5  }
0x95: {  	s5 =	sld [smem:$0x3FFC];
	_ =	sdelay $0x3  }
0x96: {  	_ =	strace s5  }
0x97: {  	s5 =	sld [smem:$0x3FFD];
	_ =	sdelay $0x3  }
0x98: {  	_ =	strace s5  }
0x99: {  	_ =	strace $0x8FFFFFFF  }
0x9a: {  	s19 =	sld [smem:$0x3FDB];
	_ =	sdelay $0x1  }
0x9b: {  	s6 =	simm.s32 $_scs_section_size  }
0x9c: {  	s7 =	simm.s32 $_size__tile_overlayer_lowered;
	s8 =	simm.s32 $_tile_overlayer_lowered  }
0x9d: {  	s22 =	simm.s32 $0x1BFF;
	s21 =	sshll.u32 s8, $0x1;
	s5 =	sadd.s32 s6, s19  }
0x9e: {  	s9 =	simm.s32 $0x0;
	s20 =	sshll.u32 s7, $0x1;
	s7 =	sadd.s32 s21, s5  }
0x9f: {  	[timem:s9], [sflag:s22] =	dma.local [hbm:s7], s20  }
0xa0: {  	_ =	swait.ge [sflag:s22], s20  }
0xa1: {  	s6 =	ssub.s32 $0x0, s20;
	[sflag:s22] =	ssyncset.done $0x0  }
0xa2: {  	[sflag:s22] =	ssyncadd.s32 s6;
	_ =	sdelay $0x1  }
0xa3: {  	s23 =	simm.s32 $0x1B8B  }
0xa4: {  	_ =	swait.ge [sflag:s23], $0x1  }
0xa5: {  	[sflag:s23] =	ssyncset.done $0x0  }
0xa6: {  	s25 =	simm.s32 $0x1B8E;
	s24 =	sld [smem:$0x3FFE];
	[sflag:s23] =	ssyncadd.s32 $0xFFFFFFFF  }
0xa7: {  	s26 =	simm.s32 $execute0_lowered;
	[smem:$0x3FD2] =	sst s25  }
0xa8: {  	s7 =	sshll.u32 s26, $0x1;
	_ =	strace $0x80000046;
	[dreg:$0x1] =	wrdreg $0xFFFFFFFF  }
0xa9: {  	s28 =	simm.s32 $_size_execute0_lowered;
	s5 =	sadd.s32 s5, s7;
	[dreg:$0x0] =	wrdreg $0x0  }
0xaa: {  	s7 =	sshll.u32 s28, $0x1;
	[dreg:$0x2] =	wrdreg s5  }
0xab: {  	[dreg:$0x3] =	wrdreg s7  }
0xac: {  	[dreg:$0x4] =	wrdreg $0xC0  }
0xad: {  	_ =	task [dreg:s9], $0x5FFFF  }
0xae: {  	[dreg:$0x1] =	wrdreg $0xFFFFFFFF  }
0xaf: {  	[dreg:$0x0] =	wrdreg $0x60  }
0xb0: {  	[dreg:$0x2] =	wrdreg s24  }
0xb1: {  	[dreg:$0x3] =	wrdreg s2  }
0xb2: {  	[dreg:$0x4] =	wrdreg s18  }
0xb3: {  	[dreg:$0x5] =	wrdreg s4  }
0xb4: {  	[dreg:$0x6] =	wrdreg $0x9  }
0xb5: {  	_ =	task.clear_ibuf [dreg:s9], $0x7FFFF;
	_ =	strace $0x90000046  }
0xb6: {  	s29 =	simm.s32 $0x9;
	_ =	strace $0x80000048  }
0xb7: {  	_ =	swait.ge [sflag:s29], $0x1  }
0xb8: {  	[sflag:s29] =	ssyncadd.s32 $0xFFFFFFFF  }
0xb9: {  	_ =	strace $0x90000048  }
0xba: {  	_ =	sfence  }
0xbb: {  	s30 =	sld [smem:$0x0];
	_ =	sdelay $0x2  }
0xbc: {  	s31 =	sshll.u32 s1, $0xD;
	s1 =	sshrl.u32 s1, $0x2  }
0xbd: {  	s3 =	sand.u32 $0x4000, s31;
	s1 =	sadd.s32 s1, s30  }
0xbe: {  	s0 =	sor.u32 s3, s0;
	s1 =	sshll.u32 s1, $0x11  }
0xbf: {  	s0 =	sor.u32 s1, s0  }
0xc0: {  	s0 =	sadd.s32 $0x8F2B, s0  }
0xc1: {  	[sflag:s0] =	ssyncadd.remote.s32 $0x1  }
0xc2: {  	_ =	sfence.sel $0xFFFF  }
0xc3: {  	[dreg:$0x0] =	wrdreg $0xFFFFFFFF;
	(pc) =	sbr.abs _section_cstart, $3  }
0xc4: {  	[dreg:$0x1] =	wrdreg $0xFFFFFFFF  }
0xc5: {  	_ =	task.clear_ibuf [dreg:s9], $0x2FFFF;
	_ =	strace $0x9FFFFFFF  }
0xc6: {  	(tm) =	ssettm $0x7FFFFFFF  }
0xc7: {  	_ =	shalt  }
tec
execute0_lowered:
.L_overlay_start_1:
0x0: {  	(tag) =	ssettag $0x1  }
0x1: {  	s0 =	rddreg [dreg:$0x0]  }
0x2: {  	s1 =	rddreg [dreg:$0x1]  }
0x3: {  	s2 =	srdreg.scid;
	s3 =	rddreg [dreg:$0x2]  }
0x4: {  	s8 =	stileid.u32;
	s5 =	rddreg [dreg:$0x3]  }
0x5: {  	s16 =	simm.s32 $0x3;
	s17 =	simm.s32 $0x4;
	s18 =	simm.s32 $0x5  }
0x6: {  	s19 =	simm.s32 $0x6;
	s20 =	simm.s32 $0x7;
	s21 =	simm.s32 $0x8  }
0x7: {  	s22 =	simm.s32 $0x9;
	s23 =	simm.s32 $0xA;
	s24 =	simm.s32 $0xB  }
0x8: {  	s25 =	simm.s32 $0xC;
	s28 =	simm.s32 $0xE;
	s29 =	simm.s32 $0xF  }
0x9: {  	s2 =	sand.u32 $0x1, s2;
	s4 =	sshll.u32 s8, $0x1;
	s8 =	smul.u32 $0x32000, s8  }
0xa: {  	s6 =	sor.u32 s2, s4;
	s7 =	ssub.s32 $0x2, s2;
	s2 =	smul.u32 $0x19000, s2  }
0xb: {  	s15 =	simm.s32 $0x1;
	s4 =	simm.s32 $0x0;
	s6 =	smul.u32 $0x380, s6  }
0xc: {  	[smem:$0x7FF] =	sst s4;
	s9 =	sshrl.u32 s7, $0x1;
	s5 =	sadd.s32 s8, s5  }
0xd: {  	_ =	strace $0x80000047;
	s26 =	ssub.s32 s7, s9;
	s31 =	sadd.s32 s2, s5  }
0xe: {  	s0 =	sadd.s32 s6, s0;
	s30 =	smax.u32 s26, $0x1;
	[dreg:$0x5] =	wrdreg s31  }
0xf: {  	s8 =	simm.s32 $0x80;
	s0 =	sadd.s32 $0x800, s0;
	[dreg:$0x7] =	wrdreg s30  }
0x10: {  	s2 =	simm.s32 $0x0;
	s26 =	simm.s32 $0xD;
	[dreg:$0x6] =	wrdreg s0  }
.LBB2_1:
0x11: {  	[dreg:$0x8] =	wrdreg s2  }
0x12: {  	s0 =	rddreg [dreg:$0x6];
	s30 =	simm.s32 $0x10  }
0x13: {  	[tilespmem:s4], [sflag:$0x10] =	stream.linear.gather [hbm4b:s0+s4], $0x1900, $0x38;
	[tilespmem:$0x15C00] =	vst v63  }
0x14: {  	_ =	swait.ge [sflag:s30], $0x1900  }
0x15: {  	[sflag:s30] =	ssyncset.done $0x0  }
0x16: {  	s2 =	simm.s32 $0x0;
	s7 =	simm.s32 $0x1C00;
	[sflag:s30] =	ssyncadd.s32 $0xFFFFE700  }
0x17: {  	[tilespmem:s7], [sflag:$0x1] =	stream.indirect.gather [hbm4b:s1+s8], $0x80, s2, s8, $0xb8;
	[tilespmem:$0x15C00] =	vst v63  }
0x18: {  	s14 =	simm.s32 $0x80;
	s9 =	simm.s32 $0x5C00  }
0x19: {  	[tilespmem:s9], [sflag:$0x2] =	stream.indirect.gather [hbm4b:s1+s8], $0x80, s14, s8, $0xb8;
	[tilespmem:$0x15C00] =	vst v63  }
0x1a: {  	s5 =	simm.s32 $0x100;
	s10 =	simm.s32 $0x9C00  }
0x1b: {  	[tilespmem:s10], [sflag:$0x3] =	stream.indirect.gather [hbm4b:s1+s8], $0x80, s5, s8, $0xb8;
	[tilespmem:$0x15C00] =	vst v63  }
0x1c: {  	s31 =	simm.s32 $0x180;
	s11 =	simm.s32 $0xDC00  }
0x1d: {  	[tilespmem:s11], [sflag:$0x4] =	stream.indirect.gather [hbm4b:s1+s8], $0x80, s31, s8, $0xb8;
	[tilespmem:$0x15C00] =	vst v63  }
0x1e: {  	s6 =	simm.s32 $0x200;
	s12 =	simm.s32 $0x11C00;
	s13 =	simm.s32 $0x1  }
0x1f: {  	[tilespmem:s12], [sflag:$0x5] =	stream.indirect.gather [hbm4b:s1+s8], $0x80, s6, s8, $0xb8;
	[tilespmem:$0x15C00] =	vst v63  }
0x20: {  	_ =	swait.ge [sflag:s13], $0x4000  }
0x21: {  	[sflag:s13] =	ssyncset.done $0x0  }
0x22: {  	s30 =	simm.s32 $0x2;
	[sflag:s13] =	ssyncadd.s32 $0xFFFFC000  }
0x23: {  	[tilespmem:s7], [sflag:$0x6] =	stream.indirect.gather.add.f32 [hbm:s3], $0x80, s2, s8, $0xb8;
	[tilespmem:$0x15C00] =	vst v63  }
0x24: {  	_ =	swait.ge [sflag:s30], $0x4000  }
0x25: {  	[sflag:s30] =	ssyncset.done $0x0  }
0x26: {  	[sflag:s30] =	ssyncadd.s32 $0xFFFFC000  }
0x27: {  	[tilespmem:s9], [sflag:$0x7] =	stream.indirect.gather.add.f32 [hbm:s3], $0x80, s14, s8, $0xb8;
	[tilespmem:$0x15C00] =	vst v63  }
0x28: {  	_ =	swait.ge [sflag:s16], $0x4000  }
0x29: {  	[sflag:s16] =	ssyncset.done $0x0  }
0x2a: {  	[sflag:s16] =	ssyncadd.s32 $0xFFFFC000  }
0x2b: {  	[tilespmem:s10], [sflag:$0x8] =	stream.indirect.gather.add.f32 [hbm:s3], $0x80, s5, s8, $0xb8;
	[tilespmem:$0x15C00] =	vst v63  }
0x2c: {  	_ =	swait.ge [sflag:s17], $0x4000  }
0x2d: {  	[sflag:s17] =	ssyncset.done $0x0  }
0x2e: {  	[sflag:s17] =	ssyncadd.s32 $0xFFFFC000  }
0x2f: {  	[tilespmem:s11], [sflag:$0x9] =	stream.indirect.gather.add.f32 [hbm:s3], $0x80, s31, s8, $0xb8;
	[tilespmem:$0x15C00] =	vst v63  }
0x30: {  	_ =	swait.ge [sflag:s18], $0x4000  }
0x31: {  	[sflag:s18] =	ssyncset.done $0x0  }
0x32: {  	[sflag:s18] =	ssyncadd.s32 $0xFFFFC000  }
0x33: {  	[tilespmem:s12], [sflag:$0xA] =	stream.indirect.gather.add.f32 [hbm:s3], $0x80, s6, s8, $0xb8;
	[tilespmem:$0x15C00] =	vst v63  }
0x34: {  	_ =	swait.ge [sflag:s19], $0x4000  }
0x35: {  	s6 =	rddreg [dreg:$0x5];
	[sflag:s19] =	ssyncset.done $0x0  }
0x36: {  	[sflag:s19] =	ssyncadd.s32 $0xFFFFC000;
	s0 =	sadd.s32 $0x0, s6  }
0x37: {  	[hbm4b:s0+s4] =	stream.linear.scatter [tilespmem:s7], [sflag:$0xB], $0x4000, $0x38;
	[tilespmem:$0x15C00] =	vst v63  }
0x38: {  	_ =	swait.ge [sflag:s20], $0x4000  }
0x39: {  	[sflag:s20] =	ssyncset.done $0x0  }
0x3a: {  	s13 =	sadd.s32 $0x800, s0;
	[sflag:s20] =	ssyncadd.s32 $0xFFFFC000  }
0x3b: {  	[hbm4b:s13+s4] =	stream.linear.scatter [tilespmem:s9], [sflag:$0xC], $0x4000, $0x38;
	[tilespmem:$0x15C00] =	vst v63  }
0x3c: {  	_ =	swait.ge [sflag:s21], $0x4000  }
0x3d: {  	[sflag:s21] =	ssyncset.done $0x0  }
0x3e: {  	s14 =	sadd.s32 $0x1000, s0;
	[sflag:s21] =	ssyncadd.s32 $0xFFFFC000  }
0x3f: {  	[hbm4b:s14+s4] =	stream.linear.scatter [tilespmem:s10], [sflag:$0xD], $0x4000, $0x38;
	[tilespmem:$0x15C00] =	vst v63  }
0x40: {  	_ =	swait.ge [sflag:s22], $0x4000  }
0x41: {  	[sflag:s22] =	ssyncset.done $0x0  }
0x42: {  	s30 =	sadd.s32 $0x1800, s0;
	[sflag:s22] =	ssyncadd.s32 $0xFFFFC000  }
0x43: {  	[hbm4b:s30+s4] =	stream.linear.scatter [tilespmem:s11], [sflag:$0xE], $0x4000, $0x38;
	[tilespmem:$0x15C00] =	vst v63  }
0x44: {  	_ =	swait.ge [sflag:s23], $0x4000  }
0x45: {  	[sflag:s23] =	ssyncset.done $0x0  }
0x46: {  	s0 =	sadd.s32 $0x2000, s0;
	[sflag:s23] =	ssyncadd.s32 $0xFFFFC000  }
0x47: {  	[hbm4b:s0+s4] =	stream.linear.scatter [tilespmem:s12], [sflag:$0xF], $0x4000, $0x38;
	[tilespmem:$0x15C00] =	vst v63  }
0x48: {  	_ =	swait.ge [sflag:s24], $0x4000  }
0x49: {  	[sflag:s24] =	ssyncset.done $0x0  }
0x4a: {  	[sflag:s24] =	ssyncadd.s32 $0xFFFFC000  }
0x4b: {  	_ =	swait.ge [sflag:s25], $0x4000  }
0x4c: {  	[sflag:s25] =	ssyncset.done $0x0  }
0x4d: {  	[sflag:s25] =	ssyncadd.s32 $0xFFFFC000  }
0x4e: {  	_ =	swait.ge [sflag:s26], $0x4000  }
0x4f: {  	[sflag:s26] =	ssyncset.done $0x0  }
0x50: {  	[sflag:s26] =	ssyncadd.s32 $0xFFFFC000  }
0x51: {  	_ =	swait.ge [sflag:s28], $0x4000  }
0x52: {  	[sflag:s28] =	ssyncset.done $0x0  }
0x53: {  	[sflag:s28] =	ssyncadd.s32 $0xFFFFC000  }
0x54: {  	s2 =	simm.s32 $0x480;
	_ =	swait.ge [sflag:s29], $0x4000  }
0x55: {  	s31 =	simm.s32 $0x2800;
	s0 =	simm.s32 $0x5000;
	[sflag:s29] =	ssyncset.done $0x0  }
.LBB2_2:
0x56: {  	s6 =	sadd.s32 $0xFFFFFE00, s2;
	[sflag:s29] =	ssyncadd.s32 $0xFFFFC000;
	s10 =	simm.s32 $0x1C00  }
0x57: {  	[tilespmem:s10], [sflag:$0x1] =	stream.indirect.gather [hbm4b:s1+s8], $0x80, s6, s8, $0xb8;
	[tilespmem:$0x15C00] =	vst v63  }
0x58: {  	s7 =	sadd.s32 $0xFFFFFE80, s2;
	s11 =	simm.s32 $0x5C00  }
0x59: {  	[tilespmem:s11], [sflag:$0x2] =	stream.indirect.gather [hbm4b:s1+s8], $0x80, s7, s8, $0xb8;
	[tilespmem:$0x15C00] =	vst v63  }
0x5a: {  	s30 =	sadd.s32 $0xFFFFFF00, s2;
	s12 =	simm.s32 $0x9C00  }
0x5b: {  	[tilespmem:s12], [sflag:$0x3] =	stream.indirect.gather [hbm4b:s1+s8], $0x80, s30, s8, $0xb8;
	[tilespmem:$0x15C00] =	vst v63  }
0x5c: {  	s9 =	sadd.s32 $0xFFFFFF80, s2;
	s13 =	simm.s32 $0xDC00  }
0x5d: {  	[tilespmem:s13], [sflag:$0x4] =	stream.indirect.gather [hbm4b:s1+s8], $0x80, s9, s8, $0xb8;
	[tilespmem:$0x15C00] =	vst v63  }
0x5e: {  	s14 =	simm.s32 $0x11C00  }
0x5f: {  	[tilespmem:s14], [sflag:$0x5] =	stream.indirect.gather [hbm4b:s1+s8], $0x80, s2, s8, $0xb8;
	[tilespmem:$0x15C00] =	vst v63  }
0x60: {  	_ =	swait.ge [sflag:s15], $0x4000  }
0x61: {  	[sflag:s15] =	ssyncset.done $0x0  }
0x62: {  	[sflag:s15] =	ssyncadd.s32 $0xFFFFC000  }
0x63: {  	[tilespmem:s10], [sflag:$0x6] =	stream.indirect.gather.add.f32 [hbm:s3], $0x80, s6, s8, $0xb8;
	[tilespmem:$0x15C00] =	vst v63  }
0x64: {  	s6 =	simm.s32 $0x2  }
0x65: {  	_ =	swait.ge [sflag:s6], $0x4000  }
0x66: {  	[sflag:s6] =	ssyncset.done $0x0  }
0x67: {  	[sflag:s6] =	ssyncadd.s32 $0xFFFFC000  }
0x68: {  	[tilespmem:s11], [sflag:$0x7] =	stream.indirect.gather.add.f32 [hbm:s3], $0x80, s7, s8, $0xb8;
	[tilespmem:$0x15C00] =	vst v63  }
0x69: {  	_ =	swait.ge [sflag:s16], $0x4000  }
0x6a: {  	[sflag:s16] =	ssyncset.done $0x0  }
0x6b: {  	[sflag:s16] =	ssyncadd.s32 $0xFFFFC000  }
0x6c: {  	[tilespmem:s12], [sflag:$0x8] =	stream.indirect.gather.add.f32 [hbm:s3], $0x80, s30, s8, $0xb8;
	[tilespmem:$0x15C00] =	vst v63  }
0x6d: {  	_ =	swait.ge [sflag:s17], $0x4000  }
0x6e: {  	[sflag:s17] =	ssyncset.done $0x0  }
0x6f: {  	[sflag:s17] =	ssyncadd.s32 $0xFFFFC000  }
0x70: {  	[tilespmem:s13], [sflag:$0x9] =	stream.indirect.gather.add.f32 [hbm:s3], $0x80, s9, s8, $0xb8;
	[tilespmem:$0x15C00] =	vst v63  }
0x71: {  	_ =	swait.ge [sflag:s18], $0x4000  }
0x72: {  	[sflag:s18] =	ssyncset.done $0x0  }
0x73: {  	[sflag:s18] =	ssyncadd.s32 $0xFFFFC000  }
0x74: {  	[tilespmem:s14], [sflag:$0xA] =	stream.indirect.gather.add.f32 [hbm:s3], $0x80, s2, s8, $0xb8;
	[tilespmem:$0x15C00] =	vst v63  }
0x75: {  	_ =	swait.ge [sflag:s19], $0x4000  }
0x76: {  	s9 =	rddreg [dreg:$0x5];
	[sflag:s19] =	ssyncset.done $0x0  }
0x77: {  	[sflag:s19] =	ssyncadd.s32 $0xFFFFC000;
	s6 =	sadd.s32 s31, s9  }
0x78: {  	[hbm4b:s6+s4] =	stream.linear.scatter [tilespmem:s10], [sflag:$0xB], $0x4000, $0x38;
	[tilespmem:$0x15C00] =	vst v63  }
0x79: {  	_ =	swait.ge [sflag:s20], $0x4000  }
0x7a: {  	[sflag:s20] =	ssyncset.done $0x0  }
0x7b: {  	s10 =	sadd.s32 $0x800, s6;
	[sflag:s20] =	ssyncadd.s32 $0xFFFFC000  }
0x7c: {  	[hbm4b:s10+s4] =	stream.linear.scatter [tilespmem:s11], [sflag:$0xC], $0x4000, $0x38;
	[tilespmem:$0x15C00] =	vst v63  }
0x7d: {  	_ =	swait.ge [sflag:s21], $0x4000  }
0x7e: {  	[sflag:s21] =	ssyncset.done $0x0  }
0x7f: {  	s11 =	sadd.s32 $0x1000, s6;
	[sflag:s21] =	ssyncadd.s32 $0xFFFFC000  }
0x80: {  	[hbm4b:s11+s4] =	stream.linear.scatter [tilespmem:s12], [sflag:$0xD], $0x4000, $0x38;
	[tilespmem:$0x15C00] =	vst v63  }
0x81: {  	_ =	swait.ge [sflag:s22], $0x4000  }
0x82: {  	[sflag:s22] =	ssyncset.done $0x0  }
0x83: {  	s12 =	sadd.s32 $0x1800, s6;
	[sflag:s22] =	ssyncadd.s32 $0xFFFFC000  }
0x84: {  	[hbm4b:s12+s4] =	stream.linear.scatter [tilespmem:s13], [sflag:$0xE], $0x4000, $0x38;
	[tilespmem:$0x15C00] =	vst v63  }
0x85: {  	_ =	swait.ge [sflag:s23], $0x4000  }
0x86: {  	[sflag:s23] =	ssyncset.done $0x0  }
0x87: {  	s30 =	sadd.s32 $0x2000, s6;
	[sflag:s23] =	ssyncadd.s32 $0xFFFFC000  }
0x88: {  	[hbm4b:s30+s4] =	stream.linear.scatter [tilespmem:s14], [sflag:$0xF], $0x4000, $0x38;
	[tilespmem:$0x15C00] =	vst v63  }
0x89: {  	_ =	swait.ge [sflag:s24], $0x4000  }
0x8a: {  	[sflag:s24] =	ssyncset.done $0x0  }
0x8b: {  	[sflag:s24] =	ssyncadd.s32 $0xFFFFC000  }
0x8c: {  	_ =	swait.ge [sflag:s25], $0x4000  }
0x8d: {  	[sflag:s25] =	ssyncset.done $0x0  }
0x8e: {  	[sflag:s25] =	ssyncadd.s32 $0xFFFFC000  }
0x8f: {  	_ =	swait.ge [sflag:s26], $0x4000  }
0x90: {  	[sflag:s26] =	ssyncset.done $0x0  }
0x91: {  	p0 =	sne.s32 s0, $0x16800;
	[sflag:s26] =	ssyncadd.s32 $0xFFFFC000  }
.Ltmp0:
0x92: {  	_ =	swait.ge [sflag:s28], $0x4000;
	(pc) =	sbr.rel @p0 .LBB2_2-.Ltmp0, $4  }
0x93: {  	[sflag:s28] =	ssyncset.done $0x0  }
0x94: {  	[sflag:s28] =	ssyncadd.s32 $0xFFFFC000  }
0x95: {  	s5 =	smov.u32 s0;
	s0 =	sadd.s32 $0x2800, s0;
	_ =	swait.ge [sflag:s29], $0x4000  }
0x96: {  	s2 =	sadd.s32 $0x280, s2;
	s31 =	smov.u32 s5;
	[sflag:s29] =	ssyncset.done $0x0  }
0x97: {  	s0 =	sadd.s32 $0xFFFFFE00, s2;
	[sflag:s29] =	ssyncadd.s32 $0xFFFFC000;
	s9 =	simm.s32 $0x1C00  }
0x98: {  	[tilespmem:s9], [sflag:$0x1] =	stream.indirect.gather [hbm4b:s1+s8], $0x80, s0, s8, $0xb8;
	[tilespmem:$0x15C00] =	vst v63  }
0x99: {  	s5 =	sadd.s32 $0xFFFFFE80, s2;
	s10 =	simm.s32 $0x5C00  }
0x9a: {  	[tilespmem:s10], [sflag:$0x2] =	stream.indirect.gather [hbm4b:s1+s8], $0x80, s5, s8, $0xb8;
	[tilespmem:$0x15C00] =	vst v63  }
0x9b: {  	s6 =	sadd.s32 $0xFFFFFF00, s2;
	s11 =	simm.s32 $0x9C00  }
0x9c: {  	[tilespmem:s11], [sflag:$0x3] =	stream.indirect.gather [hbm4b:s1+s8], $0x80, s6, s8, $0xb8;
	[tilespmem:$0x15C00] =	vst v63  }
0x9d: {  	s7 =	sadd.s32 $0xFFFFFF80, s2;
	s12 =	simm.s32 $0xDC00  }
0x9e: {  	[tilespmem:s12], [sflag:$0x4] =	stream.indirect.gather [hbm4b:s1+s8], $0x80, s7, s8, $0xb8;
	[tilespmem:$0x15C00] =	vst v63  }
0x9f: {  	s13 =	simm.s32 $0x11C00;
	s14 =	simm.s32 $0x1  }
0xa0: {  	[tilespmem:s13], [sflag:$0x5] =	stream.indirect.gather [hbm4b:s1+s8], $0x80, s2, s8, $0xb8;
	[tilespmem:$0x15C00] =	vst v63  }
0xa1: {  	_ =	swait.ge [sflag:s14], $0x4000  }
0xa2: {  	[sflag:s14] =	ssyncset.done $0x0  }
0xa3: {  	s30 =	simm.s32 $0x2;
	[sflag:s14] =	ssyncadd.s32 $0xFFFFC000  }
0xa4: {  	[tilespmem:s9], [sflag:$0x6] =	stream.indirect.gather.add.f32 [hbm:s3], $0x80, s0, s8, $0xb8;
	[tilespmem:$0x15C00] =	vst v63  }
0xa5: {  	_ =	swait.ge [sflag:s30], $0x4000  }
0xa6: {  	[sflag:s30] =	ssyncset.done $0x0  }
0xa7: {  	[sflag:s30] =	ssyncadd.s32 $0xFFFFC000  }
0xa8: {  	[tilespmem:s10], [sflag:$0x7] =	stream.indirect.gather.add.f32 [hbm:s3], $0x80, s5, s8, $0xb8;
	[tilespmem:$0x15C00] =	vst v63  }
0xa9: {  	_ =	swait.ge [sflag:s16], $0x4000  }
0xaa: {  	[sflag:s16] =	ssyncset.done $0x0  }
0xab: {  	[sflag:s16] =	ssyncadd.s32 $0xFFFFC000  }
0xac: {  	[tilespmem:s11], [sflag:$0x8] =	stream.indirect.gather.add.f32 [hbm:s3], $0x80, s6, s8, $0xb8;
	[tilespmem:$0x15C00] =	vst v63  }
0xad: {  	_ =	swait.ge [sflag:s17], $0x4000  }
0xae: {  	[sflag:s17] =	ssyncset.done $0x0  }
0xaf: {  	[sflag:s17] =	ssyncadd.s32 $0xFFFFC000  }
0xb0: {  	[tilespmem:s12], [sflag:$0x9] =	stream.indirect.gather.add.f32 [hbm:s3], $0x80, s7, s8, $0xb8;
	[tilespmem:$0x15C00] =	vst v63  }
0xb1: {  	_ =	swait.ge [sflag:s18], $0x4000  }
0xb2: {  	[sflag:s18] =	ssyncset.done $0x0  }
0xb3: {  	[sflag:s18] =	ssyncadd.s32 $0xFFFFC000  }
0xb4: {  	[tilespmem:s13], [sflag:$0xA] =	stream.indirect.gather.add.f32 [hbm:s3], $0x80, s2, s8, $0xb8;
	[tilespmem:$0x15C00] =	vst v63  }
0xb5: {  	_ =	swait.ge [sflag:s19], $0x4000  }
0xb6: {  	s7 =	rddreg [dreg:$0x5];
	[sflag:s19] =	ssyncset.done $0x0  }
0xb7: {  	[sflag:s19] =	ssyncadd.s32 $0xFFFFC000;
	s0 =	sadd.s32 s31, s7  }
0xb8: {  	[hbm4b:s0+s4] =	stream.linear.scatter [tilespmem:s9], [sflag:$0xB], $0x4000, $0x38;
	[tilespmem:$0x15C00] =	vst v63  }
0xb9: {  	_ =	swait.ge [sflag:s20], $0x4000  }
0xba: {  	[sflag:s20] =	ssyncset.done $0x0  }
0xbb: {  	s9 =	sadd.s32 $0x800, s0;
	[sflag:s20] =	ssyncadd.s32 $0xFFFFC000  }
0xbc: {  	[hbm4b:s9+s4] =	stream.linear.scatter [tilespmem:s10], [sflag:$0xC], $0x4000, $0x38;
	[tilespmem:$0x15C00] =	vst v63  }
0xbd: {  	_ =	swait.ge [sflag:s21], $0x4000  }
0xbe: {  	[sflag:s21] =	ssyncset.done $0x0  }
0xbf: {  	s10 =	sadd.s32 $0x1000, s0;
	[sflag:s21] =	ssyncadd.s32 $0xFFFFC000  }
0xc0: {  	[hbm4b:s10+s4] =	stream.linear.scatter [tilespmem:s11], [sflag:$0xD], $0x4000, $0x38;
	[tilespmem:$0x15C00] =	vst v63  }
0xc1: {  	_ =	swait.ge [sflag:s22], $0x4000  }
0xc2: {  	[sflag:s22] =	ssyncset.done $0x0  }
0xc3: {  	s14 =	sadd.s32 $0x1800, s0;
	[sflag:s22] =	ssyncadd.s32 $0xFFFFC000  }
0xc4: {  	[hbm4b:s14+s4] =	stream.linear.scatter [tilespmem:s12], [sflag:$0xE], $0x4000, $0x38;
	[tilespmem:$0x15C00] =	vst v63  }
0xc5: {  	_ =	swait.ge [sflag:s23], $0x4000  }
0xc6: {  	[sflag:s23] =	ssyncset.done $0x0  }
0xc7: {  	s0 =	sadd.s32 $0x2000, s0;
	[sflag:s23] =	ssyncadd.s32 $0xFFFFC000  }
0xc8: {  	[hbm4b:s0+s4] =	stream.linear.scatter [tilespmem:s13], [sflag:$0xF], $0x4000, $0x38;
	[tilespmem:$0x15C00] =	vst v63  }
0xc9: {  	_ =	swait.ge [sflag:s24], $0x4000  }
0xca: {  	[sflag:s24] =	ssyncset.done $0x0  }
0xcb: {  	[sflag:s24] =	ssyncadd.s32 $0xFFFFC000  }
0xcc: {  	_ =	swait.ge [sflag:s25], $0x4000  }
0xcd: {  	[sflag:s25] =	ssyncset.done $0x0  }
0xce: {  	[sflag:s25] =	ssyncadd.s32 $0xFFFFC000  }
0xcf: {  	_ =	swait.ge [sflag:s26], $0x4000  }
0xd0: {  	[sflag:s26] =	ssyncset.done $0x0  }
0xd1: {  	[sflag:s26] =	ssyncadd.s32 $0xFFFFC000  }
0xd2: {  	_ =	swait.ge [sflag:s28], $0x4000  }
0xd3: {  	[sflag:s28] =	ssyncset.done $0x0  }
0xd4: {  	[sflag:s28] =	ssyncadd.s32 $0xFFFFC000  }
0xd5: {  	_ =	swait.ge [sflag:s29], $0x4000  }
0xd6: {  	s30 =	rddreg [dreg:$0x8]  }
0xd7: {  	s31 =	rddreg [dreg:$0x7];
	s2 =	sadd.s32 $0x1, s30  }
0xd8: {  	p0 =	sne.s32 s2, s31  }
.Ltmp1:
0xd9: {  	_ = 	snop;
	(pc) =	sbr.rel @p0 .LBB2_1-.Ltmp1, $3  }
0xda: {  	_ =	sdelay $0x1  }
0xdb: {  	[sflag:s29] =	ssyncset.done $0x0  }
0xdc: {  	[sflag:s29] =	ssyncadd.s32 $0xFFFFC000  }
0xdd: {  	_ =	sfence.sel $0x180000  }
0xde: {  	[bflag:$0x0] =	sbarrier.arrive $0xFFFF  }
0xdf: {  	_ =	strace $0x90000047  }
0xe0: {  	s0 =	stileid.u32;
	[bflag:$0x2] =	sbarrier.arrive $0xFFFF  }
0xe1: {  	p0 =	sne.s32 s0, $0x0;
	s0 =	rddreg [dreg:$0x4]  }
0xe2: {  	s0 =	sadd.s32 @!p0 $0x100000, s0  }
0xe3: {  	[sflag:s0] =	ssyncadd.tile.s32 @!p0 $0x1;
	_ =	shalt  }
.Lfunc_end2:
_tile_overlayer_lowered:
.L_overlay_start_2:
0xe4: {  	(tag) =	ssettag $0x2  }
0xe5: {  	s0 =	rddreg [dreg:$0x0];
	s2 =	stileid.u32  }
0xe6: {  	s1 =	rddreg [dreg:$0x1];
	p0 =	sne.s32 s2, $0x0  }
0xe7: {  	s3 =	rddreg [dreg:$0x2];
	[bflag:$0x3] =	sbarrier.arrive $0xFFFF;
	s2 =	simm.s32 @!p0 $0x1C10  }
0xe8: {  	[timem:s3], [sflag:s2] =	dma.local @!p0 [hbm:s0], s1  }
0xe9: {  	s0 =	simm.s32 @!p0 $0x10  }
0xea: {  	_ =	swait.ge @!p0 [sflag:s0], s1  }
0xeb: {  	s1 =	ssub.s32 @!p0 $0x0, s1;
	[sflag:s0] =	ssyncset.done @!p0 $0x0  }
0xec: {  	[sflag:s0] =	ssyncadd.s32 @!p0 s1  }
0xed: {  	[bflag:$0x3] =	sbarrier.arrive $0xFFFF  }
0xee: {  	_ =	shalt  }

// kernel: sparse-core-data-format-call.cloned.1.call-start
scs
called_computation_lowered:
.L_overlay_start_0:
0x0: {  	s2 =	sld [smem:$0x3FD9]  }
0x1: {  	s3 =	sld [smem:$0x3FFE];
	_ =	sdelay $0x1  }
0x2: {  	s1 =	srdreg.scid  }
0x3: {  	s0 =	sand.u32 $0x1, s1  }
0x4: {  	s18 =	sshll.u32 s0, $0xA;
	s2 =	sadd.s32 s3, s2  }
0x5: {  	s2 =	sadd.s32 s2, s18  }
0x6: {  	[smem:$0x3FC5] =	sst s2  }
0x7: {  	_ = 	snop  }
0x8: {  	s2 =	sld [smem:$0x3FD0];
	(tm) =	ssettm $0x1  }
0x9: {  	s19 =	sld [smem:$0x3FFB];
	_ =	sdelay $0x3  }
0xa: {  	_ =	strace s19  }
0xb: {  	s3 =	sld [smem:$0x3FFC];
	_ =	sdelay $0x3  }
0xc: {  	_ =	strace s3  }
0xd: {  	s3 =	sld [smem:$0x3FFD];
	_ =	sdelay $0x3  }
0xe: {  	_ =	strace s3  }
0xf: {  	_ =	strace $0x8FFFFFFF  }
0x10: {  	s20 =	sld [smem:$0x3FDB];
	_ =	sdelay $0x1  }
0x11: {  	s4 =	simm.s32 $_scs_section_size  }
0x12: {  	s5 =	simm.s32 $_size__tile_overlayer_lowered;
	s6 =	simm.s32 $_tile_overlayer_lowered  }
0x13: {  	s23 =	simm.s32 $0x1BFF;
	s22 =	sshll.u32 s6, $0x1;
	s3 =	sadd.s32 s4, s20  }
0x14: {  	s7 =	simm.s32 $0x0;
	s21 =	sshll.u32 s5, $0x1;
	s5 =	sadd.s32 s22, s3  }
0x15: {  	[timem:s7], [sflag:s23] =	dma.local [hbm:s5], s21  }
0x16: {  	_ =	swait.ge [sflag:s23], s21  }
0x17: {  	s4 =	ssub.s32 $0x0, s21;
	[sflag:s23] =	ssyncset.done $0x0  }
0x18: {  	[sflag:s23] =	ssyncadd.s32 s4;
	_ =	sdelay $0x1  }
0x19: {  	s24 =	simm.s32 $0x1B8B  }
0x1a: {  	_ =	swait.ge [sflag:s24], $0x1  }
0x1b: {  	[sflag:s24] =	ssyncset.done $0x0  }
0x1c: {  	s26 =	simm.s32 $0x1B8E;
	s25 =	sld [smem:$0x3FFE];
	[sflag:s24] =	ssyncadd.s32 $0xFFFFFFFF  }
0x1d: {  	s27 =	simm.s32 $execute0_lowered;
	[smem:$0x3FD2] =	sst s26  }
0x1e: {  	s5 =	sshll.u32 s27, $0x1;
	_ =	strace $0x80000049;
	[dreg:$0x1] =	wrdreg $0xFFFFFFFF  }
0x1f: {  	s28 =	simm.s32 $_size_execute0_lowered;
	s3 =	sadd.s32 s3, s5;
	[dreg:$0x0] =	wrdreg $0x0  }
0x20: {  	s5 =	sshll.u32 s28, $0x1;
	[dreg:$0x2] =	wrdreg s3  }
0x21: {  	[dreg:$0x3] =	wrdreg s5  }
0x22: {  	[dreg:$0x4] =	wrdreg $0xC0  }
0x23: {  	_ =	task [dreg:s7], $0x5FFFF  }
0x24: {  	[dreg:$0x1] =	wrdreg $0xFFFFFFFF  }
0x25: {  	[dreg:$0x0] =	wrdreg $0x60  }
0x26: {  	[dreg:$0x2] =	wrdreg s25  }
0x27: {  	[dreg:$0x3] =	wrdreg s2  }
0x28: {  	[dreg:$0x4] =	wrdreg $0x9  }
0x29: {  	_ =	task.clear_ibuf [dreg:s7], $0x5FFFF;
	_ =	strace $0x90000049  }
0x2a: {  	s29 =	simm.s32 $0x9;
	_ =	strace $0x8000004B  }
0x2b: {  	_ =	swait.ge [sflag:s29], $0x1  }
0x2c: {  	[sflag:s29] =	ssyncadd.s32 $0xFFFFFFFF  }
0x2d: {  	_ =	strace $0x9000004B  }
0x2e: {  	_ =	sfence  }
0x2f: {  	s30 =	sld [smem:$0x0];
	_ =	sdelay $0x2  }
0x30: {  	s31 =	sshll.u32 s1, $0xD;
	s1 =	sshrl.u32 s1, $0x2  }
0x31: {  	s3 =	sand.u32 $0x4000, s31;
	s1 =	sadd.s32 s1, s30  }
0x32: {  	s0 =	sor.u32 s3, s0;
	s1 =	sshll.u32 s1, $0x11  }
0x33: {  	s0 =	sor.u32 s1, s0  }
0x34: {  	s0 =	sadd.s32 $0x8F2B, s0  }
0x35: {  	[sflag:s0] =	ssyncadd.remote.s32 $0x1  }
0x36: {  	_ =	sfence.sel $0xFFFF  }
0x37: {  	[dreg:$0x0] =	wrdreg $0xFFFFFFFF;
	(pc) =	sbr.abs _section_cstart, $3  }
0x38: {  	[dreg:$0x1] =	wrdreg $0xFFFFFFFF  }
0x39: {  	_ =	task.clear_ibuf [dreg:s7], $0x2FFFF;
	_ =	strace $0x9FFFFFFF  }
0x3a: {  	(tm) =	ssettm $0x7FFFFFFF  }
0x3b: {  	_ =	shalt  }
tec
execute0_lowered:
.L_overlay_start_1:
0x0: {  	(tag) =	ssettag $0x1  }
0x1: {  	s0 =	srdreg.scid  }
0x2: {  	s1 =	sshll.u32 s0, $0x4  }
0x3: {  	s0 =	stileid.u32;
	s1 =	sand.u32 $0x10, s1  }
0x4: {  	s1 =	sor.u32 s0, s1  }
0x5: {  	s6 =	rddreg [dreg:$0x0];
	s4 =	simm.s32 $0x1;
	s2 =	sshll.u32 s1, $0x6  }
0x6: {  	s7 =	simm.s32 $0x2;
	s13 =	simm.s32 $0x0;
	s1 =	ssub.s32 $0x1000, s2  }
0x7: {  	s8 =	simm.s32 $0x2000;
	s9 =	simm.s32 $0x80000;
	s3 =	sand.u32 $0x7C0, s1  }
0x8: {  	s14 =	simm.s32 $0x0;
	s5 =	sshrl.u32 s1, $0xB;
	p0 =	sne.s32 s3, $0x0  }
.Ltmp0:
0x9: {  	s1 =	rddreg [dreg:$0x2];
	s4 =	simm.s32 @!p0 $0x0;
	(pc) =	sbr.rel .LBB1_1-.Ltmp0, $4  }
0xa: {  	s10 =	simm.s32 $0x0;
	s3 =	rddreg [dreg:$0x1];
	s5 =	sadd.s32 s4, s5  }
0xb: {  	_ =	strace $0x8000004A;
	s4 =	simm.s32 $0x1;
	s5 =	smul.u32 $0x19, s5  }
0xc: {  	s12 =	simm.s32 $0x0;
	s6 =	sadd.s32 $0x800, s6;
	[sflag:s4] =	ssyncpa.u1 $0x0  }
0xd: {  	s11 =	smov.u32 s2;
	[sflag:s7] =	ssyncpa.u1 $0x0;
	s7 =	sadd.s32 $0x1, s5  }
.LBB1_7:
0xe: {  	s15 =	sadd.s32 $0x2, s10  }
0xf: {  	s13 =	sadd.s32 $0x800, s11;
	s17 =	smov.u32 s11;
	p1 =	sgt.s32 s15, $0x31  }
0x10: {  	s17 =	smov.u32 @p1 s13  }
0x11: {  	s15 =	simm.s32 @p1 $0x0;
	p1 =	sgt.s32 s17, $0xFFF  }
0x12: {  	s17 =	smov.u32 @p1 s2;
	p1 =	sne.s32 s12, s7  }
.Ltmp1:
0x13: {  	p0 =	slt.u32 s12, $0x2;
	(pc) =	sbr.rel @!p1 .LBB1_8-.Ltmp1, $4  }
0x14: {  	s16 =	simm.s32 @!p0 $0x2  }
0x15: {  	s14 =	smov.u32 s11;
	_ =	swait.ge @!p0 [sflag:s16], $0x4000  }
0x16: {  	s13 =	smov.u32 s10;
	[sflag:s16] =	ssyncset.done @!p0 $0x0;
	s10 =	smov.u32 s15  }
0x17: {  	s12 =	sadd.s32 $0x1, s12;
	[sflag:s16] =	ssyncadd.s32 @!p0 $0xFFFFC000;
	s11 =	smov.u32 s17  }
.LBB1_1:
0x18: {  	p0 =	sge.u32 s12, s5  }
0x19: {  	s15 =	sand.u32 @!p0 $0x1FFFFFF, s10  }
0x1a: {  	s16 =	smulhi.u32 @!p0 $0x4924925, s15;
	_ =	sdelay $0x1  }
0x1b: {  	s16 =	smul.u32 @!p0 $0x38, s16  }
0x1c: {  	s17 =	sxor.u32 @!p0 $0xFFFFFFFF, s12;
	s18 =	smul.u32 @!p0 $0x380, s11  }
0x1d: {  	s31 =	sadd.s32 $0xFFFFFFFF, s12;
	s17 =	sshll.u32 @!p0 s17, $0xE;
	s15 =	ssub.s32 @!p0 s15, s16  }
0x1e: {  	s16 =	sand.u32 @!p0 $0x4000, s17;
	s17 =	sadd.s32 @!p0 s6, s18;
	s15 =	sshll.u32 @!p0 s15, $0x4  }
0x1f: {  	s18 =	simm.s32 @!p0 $0x1C00;
	s15 =	sadd.s32 @!p0 s15, s17;
	s17 =	simm.s32 @!p0 $0x100  }
0x20: {  	[tilespmem:s16], [sflag:$0x1] =	stream.strided.gather @!p0 [hbm4b:s15+s17], $0x4000, s18, s17, $0x38;
	[tilespmem:$0x10000] =	vst v63  }
0x21: {  	p0 =	sge.u32 s31, s5  }
.Ltmp2:
0x22: {  	_ = 	snop;
	(pc) =	sbr.rel @p0 .LBB1_7-.Ltmp2, $1  }
0x23: {  	_ =	sdelay $0x3  }
0x24: {  	_ =	swait.ge [sflag:s4], $0x4000;
	s15 =	sshll.u32 s12, $0xE  }
0x25: {  	[sflag:s4] =	ssyncset.done $0x0;
	s16 =	sand.u32 $0x4000, s15  }
0x26: {  	s17 =	simm.s32 $0x0;
	[sflag:s4] =	ssyncadd.s32 $0xFFFFC000;
	s15 =	sor.u32 $0x8000, s16  }
.LBB1_3:
0x27: {  	s18 =	sshll.u32 s17, $0x8  }
0x28: {  	s18 =	sand.u32 $0x3FFFFF00, s18  }
0x29: {  	s19 =	sshll.u32 s17, $0x7;
	s18 =	sadd.s32 s18, s16  }
0x2a: {  	s19 =	sand.u32 $0x3FFFFF80, s19;
	v0 =	vmov s18  }
0x2b: {  	s19 =	sadd.s32 s19, s15  }
0x2c: {  	p0 =	por $0x1, $0x1;
	v1 =	vmov s19;
	s18 =	simm.s32 $0x0  }
.LBB1_4:
0x2d: {  	s19 =	sshll.u32 s18, $0x7  }
0x2e: {  	s19 =	sand.u32 $0x3FFFFF80, s19  }
0x2f: {  	v2 =	vld.idx.msk [tilespmem:v0+s19+$0x0 ss:$0x1], $0xffff  }
0x30: {  	v3 =	vld.idx.msk [tilespmem:v0+s19+$0x10 ss:$0x1], $0xffff  }
0x31: {  	v4 =	vld.idx.msk [tilespmem:v0+s19+$0x20 ss:$0x1], $0xffff  }
0x32: {  	s31 =	sshll.u32 s18, $0xD;
	v5 =	vld.idx.msk [tilespmem:v0+s19+$0x30 ss:$0x1], $0xffff  }
0x33: {  	s18 =	sand.u32 $0x3FFFE000, s31;
	v6 =	vld.idx.msk [tilespmem:v0+s19+$0x40 ss:$0x1], $0xffff  }
0x34: {  	v63 =	vld.idx.msk [tilespmem:v0+s19+$0x70 ss:$0x1], $0xffff;
	[tilespmem:v1+s18+$0x0 ss:$0x1] =	vst.idx.msk $0xffff, v2  }
0x35: {  	v2 =	vld.idx.msk [tilespmem:v0+s19+$0x50 ss:$0x1], $0xffff;
	[tilespmem:v1+s18+$0x10 ss:$0x1] =	vst.idx.msk $0xffff, v3  }
0x36: {  	p1 =	por p0, p0;
	v3 =	vld.idx.msk [tilespmem:v0+s19+$0x60 ss:$0x1], $0xffff;
	[tilespmem:v1+s18+$0x20 ss:$0x1] =	vst.idx.msk $0xffff, v4  }
.Ltmp3:
0x37: {  	[tilespmem:v1+s18+$0x30 ss:$0x1] =	vst.idx.msk $0xffff, v5;
	(pc) =	sbr.rel @p1 .LBB1_4-.Ltmp3, $4  }
0x38: {  	[tilespmem:v1+s18+$0x40 ss:$0x1] =	vst.idx.msk $0xffff, v6  }
0x39: {  	[tilespmem:v1+s18+$0x70 ss:$0x1] =	vst.idx.msk $0xffff, v63  }
0x3a: {  	[tilespmem:v1+s18+$0x50 ss:$0x1] =	vst.idx.msk $0xffff, v2  }
0x3b: {  	p0 =	por $0x0, $0x0;
	[tilespmem:v1+s18+$0x60 ss:$0x1] =	vst.idx.msk $0xffff, v3;
	s18 =	simm.s32 $0x1  }
0x3c: {  	s17 =	sadd.s32 $0x1, s17  }
0x3d: {  	p0 =	sne.s32 s17, $0x40  }
.Ltmp4:
0x3e: {  	_ = 	snop;
	(pc) =	sbr.rel @p0 .LBB1_3-.Ltmp4, $1  }
0x3f: {  	_ =	sdelay $0x3  }
.Ltmp5:
0x40: {  	s14 =	sshll.u32 s14, $0x4;
	(pc) =	sbr.rel .LBB1_7-.Ltmp5, $4  }
0x41: {  	s14 =	sand.u32 $0xFFF0, s14  }
0x42: {  	s13 =	sshll.u32 s13, $0x10;
	s14 =	sadd.s32 s3, s14  }
0x43: {  	s13 =	sadd.s32 s13, s14  }
0x44: {  	[hbm4b:s13+s8] =	stream.strided.scatter [tilespmem:s15], [sflag:$0x2], $0x4000, s9, s8, $0x38;
	[tilespmem:$0x10000] =	vst v63  }
.LBB1_8:
0x45: {  	_ =	sfence.sel $0x180000  }
0x46: {  	s2 =	simm.s32 $0x1;
	[bflag:$0x0] =	sbarrier.arrive $0xFFFF  }
0x47: {  	s31 =	simm.s32 $0x2;
	[sflag:s2] =	ssyncpa.u1 $0x1  }
0x48: {  	[sflag:s31] =	ssyncpa.u1 $0x1  }
0x49: {  	p0 =	sne.s32 s0, $0x0;
	_ =	strace $0x9000004A  }
0x4a: {  	s0 =	sadd.s32 @!p0 $0x100000, s1;
	[bflag:$0x2] =	sbarrier.arrive $0xFFFF  }
0x4b: {  	[sflag:s0] =	ssyncadd.tile.s32 @!p0 $0x1;
	_ =	shalt  }
.Lfunc_end1:
_tile_overlayer_lowered:
.L_overlay_start_2:
0x4c: {  	(tag) =	ssettag $0x2  }
0x4d: {  	s0 =	rddreg [dreg:$0x0];
	s2 =	stileid.u32  }
0x4e: {  	s1 =	rddreg [dreg:$0x1];
	p0 =	sne.s32 s2, $0x0  }
0x4f: {  	s3 =	rddreg [dreg:$0x2];
	[bflag:$0x3] =	sbarrier.arrive $0xFFFF;
	s2 =	simm.s32 @!p0 $0x1C01  }
0x50: {  	[timem:s3], [sflag:s2] =	dma.local @!p0 [hbm:s0], s1  }
0x51: {  	s0 =	simm.s32 @!p0 $0x1  }
0x52: {  	_ =	swait.ge @!p0 [sflag:s0], s1  }
0x53: {  	s1 =	ssub.s32 @!p0 $0x0, s1;
	[sflag:s0] =	ssyncset.done @!p0 $0x0  }
0x54: {  	[sflag:s0] =	ssyncadd.s32 @!p0 s1  }
0x55: {  	[bflag:$0x3] =	sbarrier.arrive $0xFFFF  }
0x56: {  	_ =	shalt  }

</sc_bundles>
